<compile_context>
chip_gen: v7x
topology: tpu7x:2x2x1
jax: 0.10.2.dev20260603
libtpu: 0.0.44.dev20260713+nightly
codegen_flags: <defaults>
</compile_context>

<pallas_src>
import functools

import jax
import jax.numpy as jnp
from jax import lax
from jax.experimental import pallas as pl
from jax.experimental.pallas import tpu as pltpu
from jax.experimental.pallas import tpu_sc as plsc

_VOCAB = 100000
_EMB = 128
_BATCH = 16384
_HALF = _BATCH // 2
_NEG = 20


def _sc_gather(x_idx, y_idx, neg_idx, w1, w2, base_off, batch):
    info = plsc.get_sparse_core_info()
    nc, ns = info.num_cores, info.num_subcores
    nw = nc * ns
    bpw = batch // nw
    nbuf = 2
    ch = bpw // nbuf

    out_type = [
        jax.ShapeDtypeStruct((batch, _EMB), jnp.float32),
        jax.ShapeDtypeStruct((batch, _EMB), jnp.float32),
    ]
    with_neg = neg_idx is not None
    if with_neg:
        out_type.append(jax.ShapeDtypeStruct((_NEG, _EMB), jnp.float32))

    scratch = [
        pltpu.VMEM((bpw,), jnp.int32),
        pltpu.VMEM((bpw,), jnp.int32),
        [pltpu.VMEM((ch, _EMB), jnp.float32)] * nbuf,
        [pltpu.VMEM((ch, _EMB), jnp.float32)] * nbuf,
        pltpu.SemaphoreType.DMA,
        [pltpu.SemaphoreType.DMA] * nbuf,
        [pltpu.SemaphoreType.DMA] * nbuf,
        pltpu.SemaphoreType.DMA,
    ]
    if with_neg:
        scratch += [pltpu.VMEM((_NEG,), jnp.int32),
                    pltpu.VMEM((_NEG, _EMB), jnp.float32)]

    @functools.partial(
        pl.kernel,
        out_type=tuple(out_type),
        mesh=plsc.VectorSubcoreMesh(core_axis_name="c", subcore_axis_name="s"),
        scratch_types=scratch,
    )
    def gather_kernel(*refs):
        if with_neg:
            (xi, yi, ni, w1h, w2h, xo, yo, no,
             idx_x, idx_y, xbufs, ybufs, gsem, wxsems, wysems, isem,
             nidx_v, nrows_v) = refs
        else:
            (xi, yi, w1h, w2h, xo, yo,
             idx_x, idx_y, xbufs, ybufs, gsem, wxsems, wysems, isem) = refs
        wid = lax.axis_index("s") * nc + lax.axis_index("c")
        base = wid * bpw
        ix = pltpu.async_copy(xi.at[pl.ds(base_off + base, bpw)], idx_x, isem)
        iy = pltpu.async_copy(yi.at[pl.ds(base_off + base, bpw)], idx_y, isem)
        ix.wait()
        gx = [pltpu.async_copy(w1h.at[idx_x.at[pl.ds(j * ch, ch)]],
                               xbufs[j], gsem) for j in range(nbuf)]
        iy.wait()
        gy = [pltpu.async_copy(w2h.at[idx_y.at[pl.ds(j * ch, ch)]],
                               ybufs[j], gsem) for j in range(nbuf)]
        wx, wy = [], []
        for j in range(nbuf):
            gx[j].wait()
            wx.append(pltpu.async_copy(
                xbufs[j], xo.at[pl.ds(base + j * ch, ch)], wxsems[j]))
        for j in range(nbuf):
            gy[j].wait()
            wy.append(pltpu.async_copy(
                ybufs[j], yo.at[pl.ds(base + j * ch, ch)], wysems[j]))

        if with_neg:
            @pl.when(wid == 0)
            def _():
                pltpu.sync_copy(ni, nidx_v)
                pltpu.async_copy(w2h.at[nidx_v], nrows_v, isem).wait()
                pltpu.sync_copy(nrows_v, no)

        for j in range(nbuf):
            wx[j].wait()
            wy[j].wait()

    args = (x_idx, y_idx) + ((neg_idx,) if with_neg else ()) + (w1, w2)
    return gather_kernel(*args)


def _tc_loss(x_emb, y_emb, neg_emb, prev, final):
    batch = x_emb.shape[0]
    blk = 2048
    nblk = batch // blk

    def logsig(z):
        return jnp.minimum(z, 0.0) - jnp.log1p(jnp.exp(-jnp.abs(z)))

    def body(neg_ref, prev_ref, x_ref, y_ref, o_ref, acc_ref):
        i = pl.program_id(0)

        @pl.when(i == 0)
        def _():
            acc_ref[0] = prev_ref[0, 0]

        x = x_ref[...]
        y = y_ref[...]
        ones = jnp.ones((_EMB, 1), jnp.float32)
        pos = lax.dot_general(x * y, ones, (((1,), (0,)), ((), ())),
                              preferred_element_type=jnp.float32)
        scores = -lax.dot_general(
            x, neg_ref[...], (((1,), (1,)), ((), ())),
            preferred_element_type=jnp.float32)
        tot = jnp.sum(logsig(pos)) + jnp.sum(logsig(scores))
        acc_ref[0] = acc_ref[0] + tot

        @pl.when(i == nblk - 1)
        def _():
            if final:
                o_ref[0, 0] = -acc_ref[0] / _BATCH
            else:
                o_ref[0, 0] = acc_ref[0]

    return pl.pallas_call(
        body,
        grid=(nblk,),
        in_specs=[
            pl.BlockSpec((_NEG, _EMB), lambda i: (0, 0)),
            pl.BlockSpec(memory_space=pltpu.SMEM),
            pl.BlockSpec((blk, _EMB), lambda i: (i, 0)),
            pl.BlockSpec((blk, _EMB), lambda i: (i, 0)),
        ],
        out_specs=pl.BlockSpec(memory_space=pltpu.SMEM),
        out_shape=jax.ShapeDtypeStruct((1, 1), jnp.float32),
        scratch_shapes=[pltpu.SMEM((1,), jnp.float32)],
    )(neg_emb, prev, x_emb, y_emb)


def kernel(x, y, word_to_embedding, embedding_to_context, negative_samples):
    x = x.astype(jnp.int32)
    y = y.astype(jnp.int32)
    neg = negative_samples.astype(jnp.int32)
    w1, w2 = word_to_embedding, embedding_to_context

    x_emb0, y_emb0, neg_emb = _sc_gather(x, y, neg, w1, w2, 0, _HALF)
    x_emb1, y_emb1 = _sc_gather(x, y, None, w1, w2, _HALF, _HALF)
    zero = jnp.zeros((1, 1), jnp.float32)
    p0 = _tc_loss(x_emb0, y_emb0, neg_emb, zero, final=False)
    loss = _tc_loss(x_emb1, y_emb1, neg_emb, p0, final=True)
    return loss.reshape(())

# --- scband reference (transcript-rebuilt; emitter-appended) ---
"""Pipeline reference for scband-embeddings-66005057405538 (READ-ONLY COPY).

The authoritative reference and input builder live on the scoring server;
editing this copy changes nothing except your own understanding.
"""

import jax, jax.numpy as jnp
import numpy as np

VOCAB_SIZE = 100000
EMBEDDING_SIZE = 128
BATCH = 16384
NEGATIVE_SAMPLE_SIZE = 20

def setup_inputs(seed: int = 0) -> dict:
    key = jax.random.key(seed)
    k1, k2, k3, k4, k5 = jax.random.split(key, 5)
    x = jax.random.randint(k1, (BATCH,), 0, VOCAB_SIZE, dtype=jnp.int64 if jax.config.read('jax_enable_x64') else jnp.int32)
    y = jax.random.randint(k2, (BATCH,), 0, VOCAB_SIZE, dtype=jnp.int64 if jax.config.read('jax_enable_x64') else jnp.int32)
    word_to_embedding = jax.random.normal(k3, (VOCAB_SIZE, EMBEDDING_SIZE), dtype=jnp.float32)
    embedding_to_context = jax.random.normal(k4, (VOCAB_SIZE, EMBEDDING_SIZE), dtype=jnp.float32)
    # negative samples are drawn randomly inside torch forward; we fix them as a deterministic input
    negative_samples = jax.random.randint(k5, (NEGATIVE_SAMPLE_SIZE,), 0, VOCAB_SIZE, dtype=jnp.int64 if jax.config.read('jax_enable_x64') else jnp.int32)
    return {"x": x, "y": y, "word_to_embedding": word_to_embedding, "embedding_to_context": embedding_to_context, "negative_samples": negative_samples}

def reference(x, y, word_to_embedding, embedding_to_context, negative_samples):
    # x_embeddings = word_to_embedding(x) -> [B, d]
    x_embeddings = jnp.take(word_to_embedding, x, axis=0)
    # y_embeddings = embedding_to_context(y) -> [B, d]
    y_embeddings = jnp.take(embedding_to_context, y, axis=0)
    # positive: [B,1,d] @ [B,d,1] -> [B,1,1] -> logsigmoid -> [B,1]
    pos_scores = jnp.einsum('bd,bd->b', x_embeddings, y_embeddings)
    positive_output = jax.nn.log_sigmoid(pos_scores).reshape(-1, 1)
    # negative: (-W2[neg]) [K,d] broadcast-matmul [B,d,1] -> [B,K,1], logsigmoid, sum over K -> [B,1]
    negative_embeddings = -jnp.take(embedding_to_context, negative_samples, axis=0)
    neg_scores = jnp.einsum('kd,bd->bk', negative_embeddings, x_embeddings)
    negative_output = jax.nn.log_sigmoid(neg_scores).sum(axis=1, keepdims=True)
    loss = -(positive_output + negative_output).mean()
    return loss

if __name__ == "__main__":
    import jax
    _d = setup_inputs()
    print(jax.jit(kernel)(*tuple(_d.values())))

</pallas_src>

<mosaic_0001>
#map = affine_map<(d0, d1) -> (0)>
#map1 = affine_map<(d0, d1) -> (0, 0)>
module attributes {stable_mosaic.version = 14 : i64} {
  func.func @gather_kernel(%arg0: i32, %arg1: i32, %arg2: memref<16384xi32, #tpu.memory_space<hbm>>, %arg3: memref<16384xi32, #tpu.memory_space<hbm>>, %arg4: memref<100000x128xf32, #tpu.memory_space<hbm>>, %arg5: memref<100000x128xf32, #tpu.memory_space<hbm>>, %arg6: memref<8192x128xf32, #tpu.memory_space<hbm>>, %arg7: memref<8192x128xf32, #tpu.memory_space<hbm>>, %arg8: memref<256xi32, #tpu.memory_space<vmem>>, %arg9: memref<256xi32, #tpu.memory_space<vmem>>, %arg10: memref<128x128xf32, #tpu.memory_space<vmem>>, %arg11: memref<128x128xf32, #tpu.memory_space<vmem>>, %arg12: memref<128x128xf32, #tpu.memory_space<vmem>>, %arg13: memref<128x128xf32, #tpu.memory_space<vmem>>, %arg14: memref<!tpu.dma_semaphore, #tpu.memory_space<semaphore_mem>>, %arg15: memref<!tpu.dma_semaphore, #tpu.memory_space<semaphore_mem>>, %arg16: memref<!tpu.dma_semaphore, #tpu.memory_space<semaphore_mem>>, %arg17: memref<!tpu.dma_semaphore, #tpu.memory_space<semaphore_mem>>, %arg18: memref<!tpu.dma_semaphore, #tpu.memory_space<semaphore_mem>>, %arg19: memref<!tpu.dma_semaphore, #tpu.memory_space<semaphore_mem>>) attributes {dimension_semantics = [#tpu.dimension_semantics<core_parallel>, #tpu.dimension_semantics<subcore_parallel>], iteration_bounds = array<i64: 2, 16>, scalar_prefetch = 0 : i64, scratch_operands = 12 : i64, tpu.core_type = #tpu.core_type<sc_vector_subcore>, window_params = [{transform_indices = #map}, {transform_indices = #map}, {transform_indices = #map1}, {transform_indices = #map1}, {transform_indices = #map1}, {transform_indices = #map1}]} {
    %mul3A = arith.constant 2 : i32
    %mul3A_0 = arith.muli %arg1, %mul3A : i32
    %add3A = arith.addi %mul3A_0, %arg0 : i32
    %mul3A_1 = arith.constant 256 : i32
    %mul3A_2 = arith.muli %add3A, %mul3A_1 : i32
    %add3A_3 = arith.constant 8192 : i32
    %add3A_4 = arith.addi %add3A_3, %mul3A_2 : i32
    %dma_start3A = tpu.memref_slice %arg2[%add3A_4] : memref<16384xi32, #tpu.memory_space<hbm>> -> memref<256xi32, #tpu.memory_space<hbm>>
    %dma_start3A_5 = tpu.memref_slice %arg2[%add3A_4] : memref<16384xi32, #tpu.memory_space<hbm>> -> memref<256xi32, #tpu.memory_space<hbm>>
    tpu.enqueue_dma source(%dma_start3A_5 : memref<256xi32, #tpu.memory_space<hbm>>) target(%arg8 : memref<256xi32, #tpu.memory_space<vmem>>) target_semaphore(%arg19 : memref<!tpu.dma_semaphore, #tpu.memory_space<semaphore_mem>>)
    %add3A_6 = arith.constant 8192 : i32
    %add3A_7 = arith.addi %add3A_6, %mul3A_2 : i32
    %dma_start3A_8 = tpu.memref_slice %arg3[%add3A_7] : memref<16384xi32, #tpu.memory_space<hbm>> -> memref<256xi32, #tpu.memory_space<hbm>>
    %dma_start3A_9 = tpu.memref_slice %arg3[%add3A_7] : memref<16384xi32, #tpu.memory_space<hbm>> -> memref<256xi32, #tpu.memory_space<hbm>>
    tpu.enqueue_dma source(%dma_start3A_9 : memref<256xi32, #tpu.memory_space<hbm>>) target(%arg9 : memref<256xi32, #tpu.memory_space<vmem>>) target_semaphore(%arg19 : memref<!tpu.dma_semaphore, #tpu.memory_space<semaphore_mem>>)
    %dma_wait3A = tpu.memref_slice %arg2[%add3A_4] : memref<16384xi32, #tpu.memory_space<hbm>> -> memref<256xi32, #tpu.memory_space<hbm>>
    %dma_wait3A_10 = tpu.memref_slice %arg2[%add3A_4] : memref<16384xi32, #tpu.memory_space<hbm>> -> memref<256xi32, #tpu.memory_space<hbm>>
    tpu.wait_dma2 semaphore(%arg19 : memref<!tpu.dma_semaphore, #tpu.memory_space<semaphore_mem>>) src(%dma_wait3A_10 : memref<256xi32, #tpu.memory_space<hbm>>) dst(%arg8 : memref<256xi32, #tpu.memory_space<vmem>>)
    %dma_start3A_11 = arith.constant 0 : i32
    %dma_start3A_12 = tpu.memref_slice %arg8[%dma_start3A_11] : memref<256xi32, #tpu.memory_space<vmem>> -> memref<128xi32, #tpu.memory_space<vmem>>
    %dma_start3A_13 = arith.constant 0 : i32
    %dma_start3A_14 = arith.constant 0 : i32
    %dma_start3A_15 = tpu.memref_slice %arg4[%dma_start3A_13, %dma_start3A_14] : memref<100000x128xf32, #tpu.memory_space<hbm>> -> memref<100000x128xf32, #tpu.memory_space<hbm>>
    tpu.enqueue_indirect_dma source(%dma_start3A_15 : memref<100000x128xf32, #tpu.memory_space<hbm>>) target(%arg10 : memref<128x128xf32, #tpu.memory_space<vmem>>) offsets(%dma_start3A_12 : memref<128xi32, #tpu.memory_space<vmem>>) semaphore(%arg14 : memref<!tpu.dma_semaphore, #tpu.memory_space<semaphore_mem>>)
    %dma_start3A_16 = arith.constant 128 : i32
    %dma_start3A_17 = tpu.memref_slice %arg8[%dma_start3A_16] : memref<256xi32, #tpu.memory_space<vmem>> -> memref<128xi32, #tpu.memory_space<vmem>>
    %dma_start3A_18 = arith.constant 0 : i32
    %dma_start3A_19 = arith.constant 0 : i32
    %dma_start3A_20 = tpu.memref_slice %arg4[%dma_start3A_18, %dma_start3A_19] : memref<100000x128xf32, #tpu.memory_space<hbm>> -> memref<100000x128xf32, #tpu.memory_space<hbm>>
    tpu.enqueue_indirect_dma source(%dma_start3A_20 : memref<100000x128xf32, #tpu.memory_space<hbm>>) target(%arg11 : memref<128x128xf32, #tpu.memory_space<vmem>>) offsets(%dma_start3A_17 : memref<128xi32, #tpu.memory_space<vmem>>) semaphore(%arg14 : memref<!tpu.dma_semaphore, #tpu.memory_space<semaphore_mem>>)
    %dma_wait3A_21 = tpu.memref_slice %arg3[%add3A_7] : memref<16384xi32, #tpu.memory_space<hbm>> -> memref<256xi32, #tpu.memory_space<hbm>>
    %dma_wait3A_22 = tpu.memref_slice %arg3[%add3A_7] : memref<16384xi32, #tpu.memory_space<hbm>> -> memref<256xi32, #tpu.memory_space<hbm>>
    tpu.wait_dma2 semaphore(%arg19 : memref<!tpu.dma_semaphore, #tpu.memory_space<semaphore_mem>>) src(%dma_wait3A_22 : memref<256xi32, #tpu.memory_space<hbm>>) dst(%arg9 : memref<256xi32, #tpu.memory_space<vmem>>)
    %dma_start3A_23 = arith.constant 0 : i32
    %dma_start3A_24 = tpu.memref_slice %arg9[%dma_start3A_23] : memref<256xi32, #tpu.memory_space<vmem>> -> memref<128xi32, #tpu.memory_space<vmem>>
    %dma_start3A_25 = arith.constant 0 : i32
    %dma_start3A_26 = arith.constant 0 : i32
    %dma_start3A_27 = tpu.memref_slice %arg5[%dma_start3A_25, %dma_start3A_26] : memref<100000x128xf32, #tpu.memory_space<hbm>> -> memref<100000x128xf32, #tpu.memory_space<hbm>>
    tpu.enqueue_indirect_dma source(%dma_start3A_27 : memref<100000x128xf32, #tpu.memory_space<hbm>>) target(%arg12 : memref<128x128xf32, #tpu.memory_space<vmem>>) offsets(%dma_start3A_24 : memref<128xi32, #tpu.memory_space<vmem>>) semaphore(%arg14 : memref<!tpu.dma_semaphore, #tpu.memory_space<semaphore_mem>>)
    %dma_start3A_28 = arith.constant 128 : i32
    %dma_start3A_29 = tpu.memref_slice %arg9[%dma_start3A_28] : memref<256xi32, #tpu.memory_space<vmem>> -> memref<128xi32, #tpu.memory_space<vmem>>
    %dma_start3A_30 = arith.constant 0 : i32
    %dma_start3A_31 = arith.constant 0 : i32
    %dma_start3A_32 = tpu.memref_slice %arg5[%dma_start3A_30, %dma_start3A_31] : memref<100000x128xf32, #tpu.memory_space<hbm>> -> memref<100000x128xf32, #tpu.memory_space<hbm>>
    tpu.enqueue_indirect_dma source(%dma_start3A_32 : memref<100000x128xf32, #tpu.memory_space<hbm>>) target(%arg13 : memref<128x128xf32, #tpu.memory_space<vmem>>) offsets(%dma_start3A_29 : memref<128xi32, #tpu.memory_space<vmem>>) semaphore(%arg14 : memref<!tpu.dma_semaphore, #tpu.memory_space<semaphore_mem>>)
    %dma_wait3A_33 = arith.constant 0 : i32
    %dma_wait3A_34 = tpu.memref_slice %arg8[%dma_wait3A_33] : memref<256xi32, #tpu.memory_space<vmem>> -> memref<128xi32, #tpu.memory_space<vmem>>
    %dma_wait3A_35 = arith.constant 0 : i32
    %dma_wait3A_36 = arith.constant 0 : i32
    %dma_wait3A_37 = tpu.memref_slice %arg4[%dma_wait3A_35, %dma_wait3A_36] : memref<100000x128xf32, #tpu.memory_space<hbm>> -> memref<100000x128xf32, #tpu.memory_space<hbm>>
    tpu.wait_indirect_dma semaphore(%arg14 : memref<!tpu.dma_semaphore, #tpu.memory_space<semaphore_mem>>) src(%dma_wait3A_37 : memref<100000x128xf32, #tpu.memory_space<hbm>>) dst(%arg10 : memref<128x128xf32, #tpu.memory_space<vmem>>)
    %add3A_38 = arith.constant 0 : i32
    %add3A_39 = arith.addi %mul3A_2, %add3A_38 : i32
    %dma_start3A_40 = arith.constant 0 : i32
    %dma_start3A_41 = tpu.memref_slice %arg6[%add3A_39, %dma_start3A_40] : memref<8192x128xf32, #tpu.memory_space<hbm>> -> memref<128x128xf32, #tpu.memory_space<hbm>>
    %dma_start3A_42 = arith.constant 0 : i32
    %dma_start3A_43 = tpu.memref_slice %arg6[%add3A_39, %dma_start3A_42] : memref<8192x128xf32, #tpu.memory_space<hbm>> -> memref<128x128xf32, #tpu.memory_space<hbm>>
    tpu.enqueue_dma source(%arg10 : memref<128x128xf32, #tpu.memory_space<vmem>>) target(%dma_start3A_43 : memref<128x128xf32, #tpu.memory_space<hbm>>) target_semaphore(%arg15 : memref<!tpu.dma_semaphore, #tpu.memory_space<semaphore_mem>>)
    %dma_wait3A_44 = arith.constant 128 : i32
    %dma_wait3A_45 = tpu.memref_slice %arg8[%dma_wait3A_44] : memref<256xi32, #tpu.memory_space<vmem>> -> memref<128xi32, #tpu.memory_space<vmem>>
    %dma_wait3A_46 = arith.constant 0 : i32
    %dma_wait3A_47 = arith.constant 0 : i32
    %dma_wait3A_48 = tpu.memref_slice %arg4[%dma_wait3A_46, %dma_wait3A_47] : memref<100000x128xf32, #tpu.memory_space<hbm>> -> memref<100000x128xf32, #tpu.memory_space<hbm>>
    tpu.wait_indirect_dma semaphore(%arg14 : memref<!tpu.dma_semaphore, #tpu.memory_space<semaphore_mem>>) src(%dma_wait3A_48 : memref<100000x128xf32, #tpu.memory_space<hbm>>) dst(%arg11 : memref<128x128xf32, #tpu.memory_space<vmem>>)
    %add3A_49 = arith.constant 128 : i32
    %add3A_50 = arith.addi %mul3A_2, %add3A_49 : i32
    %dma_start3A_51 = arith.constant 0 : i32
    %dma_start3A_52 = tpu.memref_slice %arg6[%add3A_50, %dma_start3A_51] : memref<8192x128xf32, #tpu.memory_space<hbm>> -> memref<128x128xf32, #tpu.memory_space<hbm>>
    %dma_start3A_53 = arith.constant 0 : i32
    %dma_start3A_54 = tpu.memref_slice %arg6[%add3A_50, %dma_start3A_53] : memref<8192x128xf32, #tpu.memory_space<hbm>> -> memref<128x128xf32, #tpu.memory_space<hbm>>
    tpu.enqueue_dma source(%arg11 : memref<128x128xf32, #tpu.memory_space<vmem>>) target(%dma_start3A_54 : memref<128x128xf32, #tpu.memory_space<hbm>>) target_semaphore(%arg16 : memref<!tpu.dma_semaphore, #tpu.memory_space<semaphore_mem>>)
    %dma_wait3A_55 = arith.constant 0 : i32
    %dma_wait3A_56 = tpu.memref_slice %arg9[%dma_wait3A_55] : memref<256xi32, #tpu.memory_space<vmem>> -> memref<128xi32, #tpu.memory_space<vmem>>
    %dma_wait3A_57 = arith.constant 0 : i32
    %dma_wait3A_58 = arith.constant 0 : i32
    %dma_wait3A_59 = tpu.memref_slice %arg5[%dma_wait3A_57, %dma_wait3A_58] : memref<100000x128xf32, #tpu.memory_space<hbm>> -> memref<100000x128xf32, #tpu.memory_space<hbm>>
    tpu.wait_indirect_dma semaphore(%arg14 : memref<!tpu.dma_semaphore, #tpu.memory_space<semaphore_mem>>) src(%dma_wait3A_59 : memref<100000x128xf32, #tpu.memory_space<hbm>>) dst(%arg12 : memref<128x128xf32, #tpu.memory_space<vmem>>)
    %add3A_60 = arith.constant 0 : i32
    %add3A_61 = arith.addi %mul3A_2, %add3A_60 : i32
    %dma_start3A_62 = arith.constant 0 : i32
    %dma_start3A_63 = tpu.memref_slice %arg7[%add3A_61, %dma_start3A_62] : memref<8192x128xf32, #tpu.memory_space<hbm>> -> memref<128x128xf32, #tpu.memory_space<hbm>>
    %dma_start3A_64 = arith.constant 0 : i32
    %dma_start3A_65 = tpu.memref_slice %arg7[%add3A_61, %dma_start3A_64] : memref<8192x128xf32, #tpu.memory_space<hbm>> -> memref<128x128xf32, #tpu.memory_space<hbm>>
    tpu.enqueue_dma source(%arg12 : memref<128x128xf32, #tpu.memory_space<vmem>>) target(%dma_start3A_65 : memref<128x128xf32, #tpu.memory_space<hbm>>) target_semaphore(%arg17 : memref<!tpu.dma_semaphore, #tpu.memory_space<semaphore_mem>>)
    %dma_wait3A_66 = arith.constant 128 : i32
    %dma_wait3A_67 = tpu.memref_slice %arg9[%dma_wait3A_66] : memref<256xi32, #tpu.memory_space<vmem>> -> memref<128xi32, #tpu.memory_space<vmem>>
    %dma_wait3A_68 = arith.constant 0 : i32
    %dma_wait3A_69 = arith.constant 0 : i32
    %dma_wait3A_70 = tpu.memref_slice %arg5[%dma_wait3A_68, %dma_wait3A_69] : memref<100000x128xf32, #tpu.memory_space<hbm>> -> memref<100000x128xf32, #tpu.memory_space<hbm>>
    tpu.wait_indirect_dma semaphore(%arg14 : memref<!tpu.dma_semaphore, #tpu.memory_space<semaphore_mem>>) src(%dma_wait3A_70 : memref<100000x128xf32, #tpu.memory_space<hbm>>) dst(%arg13 : memref<128x128xf32, #tpu.memory_space<vmem>>)
    %add3A_71 = arith.constant 128 : i32
    %add3A_72 = arith.addi %mul3A_2, %add3A_71 : i32
    %dma_start3A_73 = arith.constant 0 : i32
    %dma_start3A_74 = tpu.memref_slice %arg7[%add3A_72, %dma_start3A_73] : memref<8192x128xf32, #tpu.memory_space<hbm>> -> memref<128x128xf32, #tpu.memory_space<hbm>>
    %dma_start3A_75 = arith.constant 0 : i32
    %dma_start3A_76 = tpu.memref_slice %arg7[%add3A_72, %dma_start3A_75] : memref<8192x128xf32, #tpu.memory_space<hbm>> -> memref<128x128xf32, #tpu.memory_space<hbm>>
    tpu.enqueue_dma source(%arg13 : memref<128x128xf32, #tpu.memory_space<vmem>>) target(%dma_start3A_76 : memref<128x128xf32, #tpu.memory_space<hbm>>) target_semaphore(%arg18 : memref<!tpu.dma_semaphore, #tpu.memory_space<semaphore_mem>>)
    %dma_wait3A_77 = arith.constant 0 : i32
    %dma_wait3A_78 = tpu.memref_slice %arg6[%add3A_39, %dma_wait3A_77] : memref<8192x128xf32, #tpu.memory_space<hbm>> -> memref<128x128xf32, #tpu.memory_space<hbm>>
    %dma_wait3A_79 = arith.constant 0 : i32
    %dma_wait3A_80 = tpu.memref_slice %arg6[%add3A_39, %dma_wait3A_79] : memref<8192x128xf32, #tpu.memory_space<hbm>> -> memref<128x128xf32, #tpu.memory_space<hbm>>
    tpu.wait_dma2 semaphore(%arg15 : memref<!tpu.dma_semaphore, #tpu.memory_space<semaphore_mem>>) src(%arg10 : memref<128x128xf32, #tpu.memory_space<vmem>>) dst(%dma_wait3A_80 : memref<128x128xf32, #tpu.memory_space<hbm>>)
    %dma_wait3A_81 = arith.constant 0 : i32
    %dma_wait3A_82 = tpu.memref_slice %arg7[%add3A_61, %dma_wait3A_81] : memref<8192x128xf32, #tpu.memory_space<hbm>> -> memref<128x128xf32, #tpu.memory_space<hbm>>
    %dma_wait3A_83 = arith.constant 0 : i32
    %dma_wait3A_84 = tpu.memref_slice %arg7[%add3A_61, %dma_wait3A_83] : memref<8192x128xf32, #tpu.memory_space<hbm>> -> memref<128x128xf32, #tpu.memory_space<hbm>>
    tpu.wait_dma2 semaphore(%arg17 : memref<!tpu.dma_semaphore, #tpu.memory_space<semaphore_mem>>) src(%arg12 : memref<128x128xf32, #tpu.memory_space<vmem>>) dst(%dma_wait3A_84 : memref<128x128xf32, #tpu.memory_space<hbm>>)
    %dma_wait3A_85 = arith.constant 0 : i32
    %dma_wait3A_86 = tpu.memref_slice %arg6[%add3A_50, %dma_wait3A_85] : memref<8192x128xf32, #tpu.memory_space<hbm>> -> memref<128x128xf32, #tpu.memory_space<hbm>>
    %dma_wait3A_87 = arith.constant 0 : i32
    %dma_wait3A_88 = tpu.memref_slice %arg6[%add3A_50, %dma_wait3A_87] : memref<8192x128xf32, #tpu.memory_space<hbm>> -> memref<128x128xf32, #tpu.memory_space<hbm>>
    tpu.wait_dma2 semaphore(%arg16 : memref<!tpu.dma_semaphore, #tpu.memory_space<semaphore_mem>>) src(%arg11 : memref<128x128xf32, #tpu.memory_space<vmem>>) dst(%dma_wait3A_88 : memref<128x128xf32, #tpu.memory_space<hbm>>)
    %dma_wait3A_89 = arith.constant 0 : i32
    %dma_wait3A_90 = tpu.memref_slice %arg7[%add3A_72, %dma_wait3A_89] : memref<8192x128xf32, #tpu.memory_space<hbm>> -> memref<128x128xf32, #tpu.memory_space<hbm>>
    %dma_wait3A_91 = arith.constant 0 : i32
    %dma_wait3A_92 = tpu.memref_slice %arg7[%add3A_72, %dma_wait3A_91] : memref<8192x128xf32, #tpu.memory_space<hbm>> -> memref<128x128xf32, #tpu.memory_space<hbm>>
    tpu.wait_dma2 semaphore(%arg18 : memref<!tpu.dma_semaphore, #tpu.memory_space<semaphore_mem>>) src(%arg13 : memref<128x128xf32, #tpu.memory_space<vmem>>) dst(%dma_wait3A_92 : memref<128x128xf32, #tpu.memory_space<hbm>>)
    return
  }
}

#map = affine_map<(d0, d1) -> (0)>
#map1 = affine_map<(d0, d1) -> (0, 0)>
module attributes {stable_mosaic.version = 14 : i64} {
  func.func @gather_kernel(%arg0: i32, %arg1: i32, %arg2: memref<16384xi32, #tpu.memory_space<hbm>>, %arg3: memref<16384xi32, #tpu.memory_space<hbm>>, %arg4: memref<20xi32, #tpu.memory_space<hbm>>, %arg5: memref<100000x128xf32, #tpu.memory_space<hbm>>, %arg6: memref<100000x128xf32, #tpu.memory_space<hbm>>, %arg7: memref<8192x128xf32, #tpu.memory_space<hbm>>, %arg8: memref<8192x128xf32, #tpu.memory_space<hbm>>, %arg9: memref<20x128xf32, #tpu.memory_space<hbm>>, %arg10: memref<256xi32, #tpu.memory_space<vmem>>, %arg11: memref<256xi32, #tpu.memory_space<vmem>>, %arg12: memref<128x128xf32, #tpu.memory_space<vmem>>, %arg13: memref<128x128xf32, #tpu.memory_space<vmem>>, %arg14: memref<128x128xf32, #tpu.memory_space<vmem>>, %arg15: memref<128x128xf32, #tpu.memory_space<vmem>>, %arg16: memref<!tpu.dma_semaphore, #tpu.memory_space<semaphore_mem>>, %arg17: memref<!tpu.dma_semaphore, #tpu.memory_space<semaphore_mem>>, %arg18: memref<!tpu.dma_semaphore, #tpu.memory_space<semaphore_mem>>, %arg19: memref<!tpu.dma_semaphore, #tpu.memory_space<semaphore_mem>>, %arg20: memref<!tpu.dma_semaphore, #tpu.memory_space<semaphore_mem>>, %arg21: memref<!tpu.dma_semaphore, #tpu.memory_space<semaphore_mem>>, %arg22: memref<20xi32, #tpu.memory_space<vmem>>, %arg23: memref<20x128xf32, #tpu.memory_space<vmem>>) attributes {dimension_semantics = [#tpu.dimension_semantics<core_parallel>, #tpu.dimension_semantics<subcore_parallel>], iteration_bounds = array<i64: 2, 16>, scalar_prefetch = 0 : i64, scratch_operands = 14 : i64, tpu.core_type = #tpu.core_type<sc_vector_subcore>, window_params = [{transform_indices = #map}, {transform_indices = #map}, {transform_indices = #map}, {transform_indices = #map1}, {transform_indices = #map1}, {transform_indices = #map1}, {transform_indices = #map1}, {transform_indices = #map1}]} {
    %mul3A = arith.constant 2 : i32
    %mul3A_0 = arith.muli %arg1, %mul3A : i32
    %add3A = arith.addi %mul3A_0, %arg0 : i32
    %mul3A_1 = arith.constant 256 : i32
    %mul3A_2 = arith.muli %add3A, %mul3A_1 : i32
    %add3A_3 = arith.constant 0 : i32
    %add3A_4 = arith.addi %add3A_3, %mul3A_2 : i32
    %dma_start3A = tpu.memref_slice %arg2[%add3A_4] : memref<16384xi32, #tpu.memory_space<hbm>> -> memref<256xi32, #tpu.memory_space<hbm>>
    %dma_start3A_5 = tpu.memref_slice %arg2[%add3A_4] : memref<16384xi32, #tpu.memory_space<hbm>> -> memref<256xi32, #tpu.memory_space<hbm>>
    tpu.enqueue_dma source(%dma_start3A_5 : memref<256xi32, #tpu.memory_space<hbm>>) target(%arg10 : memref<256xi32, #tpu.memory_space<vmem>>) target_semaphore(%arg21 : memref<!tpu.dma_semaphore, #tpu.memory_space<semaphore_mem>>)
    %add3A_6 = arith.constant 0 : i32
    %add3A_7 = arith.addi %add3A_6, %mul3A_2 : i32
    %dma_start3A_8 = tpu.memref_slice %arg3[%add3A_7] : memref<16384xi32, #tpu.memory_space<hbm>> -> memref<256xi32, #tpu.memory_space<hbm>>
    %dma_start3A_9 = tpu.memref_slice %arg3[%add3A_7] : memref<16384xi32, #tpu.memory_space<hbm>> -> memref<256xi32, #tpu.memory_space<hbm>>
    tpu.enqueue_dma source(%dma_start3A_9 : memref<256xi32, #tpu.memory_space<hbm>>) target(%arg11 : memref<256xi32, #tpu.memory_space<vmem>>) target_semaphore(%arg21 : memref<!tpu.dma_semaphore, #tpu.memory_space<semaphore_mem>>)
    %dma_wait3A = tpu.memref_slice %arg2[%add3A_4] : memref<16384xi32, #tpu.memory_space<hbm>> -> memref<256xi32, #tpu.memory_space<hbm>>
    %dma_wait3A_10 = tpu.memref_slice %arg2[%add3A_4] : memref<16384xi32, #tpu.memory_space<hbm>> -> memref<256xi32, #tpu.memory_space<hbm>>
    tpu.wait_dma2 semaphore(%arg21 : memref<!tpu.dma_semaphore, #tpu.memory_space<semaphore_mem>>) src(%dma_wait3A_10 : memref<256xi32, #tpu.memory_space<hbm>>) dst(%arg10 : memref<256xi32, #tpu.memory_space<vmem>>)
    %dma_start3A_11 = arith.constant 0 : i32
    %dma_start3A_12 = tpu.memref_slice %arg10[%dma_start3A_11] : memref<256xi32, #tpu.memory_space<vmem>> -> memref<128xi32, #tpu.memory_space<vmem>>
    %dma_start3A_13 = arith.constant 0 : i32
    %dma_start3A_14 = arith.constant 0 : i32
    %dma_start3A_15 = tpu.memref_slice %arg5[%dma_start3A_13, %dma_start3A_14] : memref<100000x128xf32, #tpu.memory_space<hbm>> -> memref<100000x128xf32, #tpu.memory_space<hbm>>
    tpu.enqueue_indirect_dma source(%dma_start3A_15 : memref<100000x128xf32, #tpu.memory_space<hbm>>) target(%arg12 : memref<128x128xf32, #tpu.memory_space<vmem>>) offsets(%dma_start3A_12 : memref<128xi32, #tpu.memory_space<vmem>>) semaphore(%arg16 : memref<!tpu.dma_semaphore, #tpu.memory_space<semaphore_mem>>)
    %dma_start3A_16 = arith.constant 128 : i32
    %dma_start3A_17 = tpu.memref_slice %arg10[%dma_start3A_16] : memref<256xi32, #tpu.memory_space<vmem>> -> memref<128xi32, #tpu.memory_space<vmem>>
    %dma_start3A_18 = arith.constant 0 : i32
    %dma_start3A_19 = arith.constant 0 : i32
    %dma_start3A_20 = tpu.memref_slice %arg5[%dma_start3A_18, %dma_start3A_19] : memref<100000x128xf32, #tpu.memory_space<hbm>> -> memref<100000x128xf32, #tpu.memory_space<hbm>>
    tpu.enqueue_indirect_dma source(%dma_start3A_20 : memref<100000x128xf32, #tpu.memory_space<hbm>>) target(%arg13 : memref<128x128xf32, #tpu.memory_space<vmem>>) offsets(%dma_start3A_17 : memref<128xi32, #tpu.memory_space<vmem>>) semaphore(%arg16 : memref<!tpu.dma_semaphore, #tpu.memory_space<semaphore_mem>>)
    %dma_wait3A_21 = tpu.memref_slice %arg3[%add3A_7] : memref<16384xi32, #tpu.memory_space<hbm>> -> memref<256xi32, #tpu.memory_space<hbm>>
    %dma_wait3A_22 = tpu.memref_slice %arg3[%add3A_7] : memref<16384xi32, #tpu.memory_space<hbm>> -> memref<256xi32, #tpu.memory_space<hbm>>
    tpu.wait_dma2 semaphore(%arg21 : memref<!tpu.dma_semaphore, #tpu.memory_space<semaphore_mem>>) src(%dma_wait3A_22 : memref<256xi32, #tpu.memory_space<hbm>>) dst(%arg11 : memref<256xi32, #tpu.memory_space<vmem>>)
    %dma_start3A_23 = arith.constant 0 : i32
    %dma_start3A_24 = tpu.memref_slice %arg11[%dma_start3A_23] : memref<256xi32, #tpu.memory_space<vmem>> -> memref<128xi32, #tpu.memory_space<vmem>>
    %dma_start3A_25 = arith.constant 0 : i32
    %dma_start3A_26 = arith.constant 0 : i32
    %dma_start3A_27 = tpu.memref_slice %arg6[%dma_start3A_25, %dma_start3A_26] : memref<100000x128xf32, #tpu.memory_space<hbm>> -> memref<100000x128xf32, #tpu.memory_space<hbm>>
    tpu.enqueue_indirect_dma source(%dma_start3A_27 : memref<100000x128xf32, #tpu.memory_space<hbm>>) target(%arg14 : memref<128x128xf32, #tpu.memory_space<vmem>>) offsets(%dma_start3A_24 : memref<128xi32, #tpu.memory_space<vmem>>) semaphore(%arg16 : memref<!tpu.dma_semaphore, #tpu.memory_space<semaphore_mem>>)
    %dma_start3A_28 = arith.constant 128 : i32
    %dma_start3A_29 = tpu.memref_slice %arg11[%dma_start3A_28] : memref<256xi32, #tpu.memory_space<vmem>> -> memref<128xi32, #tpu.memory_space<vmem>>
    %dma_start3A_30 = arith.constant 0 : i32
    %dma_start3A_31 = arith.constant 0 : i32
    %dma_start3A_32 = tpu.memref_slice %arg6[%dma_start3A_30, %dma_start3A_31] : memref<100000x128xf32, #tpu.memory_space<hbm>> -> memref<100000x128xf32, #tpu.memory_space<hbm>>
    tpu.enqueue_indirect_dma source(%dma_start3A_32 : memref<100000x128xf32, #tpu.memory_space<hbm>>) target(%arg15 : memref<128x128xf32, #tpu.memory_space<vmem>>) offsets(%dma_start3A_29 : memref<128xi32, #tpu.memory_space<vmem>>) semaphore(%arg16 : memref<!tpu.dma_semaphore, #tpu.memory_space<semaphore_mem>>)
    %dma_wait3A_33 = arith.constant 0 : i32
    %dma_wait3A_34 = tpu.memref_slice %arg10[%dma_wait3A_33] : memref<256xi32, #tpu.memory_space<vmem>> -> memref<128xi32, #tpu.memory_space<vmem>>
    %dma_wait3A_35 = arith.constant 0 : i32
    %dma_wait3A_36 = arith.constant 0 : i32
    %dma_wait3A_37 = tpu.memref_slice %arg5[%dma_wait3A_35, %dma_wait3A_36] : memref<100000x128xf32, #tpu.memory_space<hbm>> -> memref<100000x128xf32, #tpu.memory_space<hbm>>
    tpu.wait_indirect_dma semaphore(%arg16 : memref<!tpu.dma_semaphore, #tpu.memory_space<semaphore_mem>>) src(%dma_wait3A_37 : memref<100000x128xf32, #tpu.memory_space<hbm>>) dst(%arg12 : memref<128x128xf32, #tpu.memory_space<vmem>>)
    %add3A_38 = arith.constant 0 : i32
    %add3A_39 = arith.addi %mul3A_2, %add3A_38 : i32
    %dma_start3A_40 = arith.constant 0 : i32
    %dma_start3A_41 = tpu.memref_slice %arg7[%add3A_39, %dma_start3A_40] : memref<8192x128xf32, #tpu.memory_space<hbm>> -> memref<128x128xf32, #tpu.memory_space<hbm>>
    %dma_start3A_42 = arith.constant 0 : i32
    %dma_start3A_43 = tpu.memref_slice %arg7[%add3A_39, %dma_start3A_42] : memref<8192x128xf32, #tpu.memory_space<hbm>> -> memref<128x128xf32, #tpu.memory_space<hbm>>
    tpu.enqueue_dma source(%arg12 : memref<128x128xf32, #tpu.memory_space<vmem>>) target(%dma_start3A_43 : memref<128x128xf32, #tpu.memory_space<hbm>>) target_semaphore(%arg17 : memref<!tpu.dma_semaphore, #tpu.memory_space<semaphore_mem>>)
    %dma_wait3A_44 = arith.constant 128 : i32
    %dma_wait3A_45 = tpu.memref_slice %arg10[%dma_wait3A_44] : memref<256xi32, #tpu.memory_space<vmem>> -> memref<128xi32, #tpu.memory_space<vmem>>
    %dma_wait3A_46 = arith.constant 0 : i32
    %dma_wait3A_47 = arith.constant 0 : i32
    %dma_wait3A_48 = tpu.memref_slice %arg5[%dma_wait3A_46, %dma_wait3A_47] : memref<100000x128xf32, #tpu.memory_space<hbm>> -> memref<100000x128xf32, #tpu.memory_space<hbm>>
    tpu.wait_indirect_dma semaphore(%arg16 : memref<!tpu.dma_semaphore, #tpu.memory_space<semaphore_mem>>) src(%dma_wait3A_48 : memref<100000x128xf32, #tpu.memory_space<hbm>>) dst(%arg13 : memref<128x128xf32, #tpu.memory_space<vmem>>)
    %add3A_49 = arith.constant 128 : i32
    %add3A_50 = arith.addi %mul3A_2, %add3A_49 : i32
    %dma_start3A_51 = arith.constant 0 : i32
    %dma_start3A_52 = tpu.memref_slice %arg7[%add3A_50, %dma_start3A_51] : memref<8192x128xf32, #tpu.memory_space<hbm>> -> memref<128x128xf32, #tpu.memory_space<hbm>>
    %dma_start3A_53 = arith.constant 0 : i32
    %dma_start3A_54 = tpu.memref_slice %arg7[%add3A_50, %dma_start3A_53] : memref<8192x128xf32, #tpu.memory_space<hbm>> -> memref<128x128xf32, #tpu.memory_space<hbm>>
    tpu.enqueue_dma source(%arg13 : memref<128x128xf32, #tpu.memory_space<vmem>>) target(%dma_start3A_54 : memref<128x128xf32, #tpu.memory_space<hbm>>) target_semaphore(%arg18 : memref<!tpu.dma_semaphore, #tpu.memory_space<semaphore_mem>>)
    %dma_wait3A_55 = arith.constant 0 : i32
    %dma_wait3A_56 = tpu.memref_slice %arg11[%dma_wait3A_55] : memref<256xi32, #tpu.memory_space<vmem>> -> memref<128xi32, #tpu.memory_space<vmem>>
    %dma_wait3A_57 = arith.constant 0 : i32
    %dma_wait3A_58 = arith.constant 0 : i32
    %dma_wait3A_59 = tpu.memref_slice %arg6[%dma_wait3A_57, %dma_wait3A_58] : memref<100000x128xf32, #tpu.memory_space<hbm>> -> memref<100000x128xf32, #tpu.memory_space<hbm>>
    tpu.wait_indirect_dma semaphore(%arg16 : memref<!tpu.dma_semaphore, #tpu.memory_space<semaphore_mem>>) src(%dma_wait3A_59 : memref<100000x128xf32, #tpu.memory_space<hbm>>) dst(%arg14 : memref<128x128xf32, #tpu.memory_space<vmem>>)
    %add3A_60 = arith.constant 0 : i32
    %add3A_61 = arith.addi %mul3A_2, %add3A_60 : i32
    %dma_start3A_62 = arith.constant 0 : i32
    %dma_start3A_63 = tpu.memref_slice %arg8[%add3A_61, %dma_start3A_62] : memref<8192x128xf32, #tpu.memory_space<hbm>> -> memref<128x128xf32, #tpu.memory_space<hbm>>
    %dma_start3A_64 = arith.constant 0 : i32
    %dma_start3A_65 = tpu.memref_slice %arg8[%add3A_61, %dma_start3A_64] : memref<8192x128xf32, #tpu.memory_space<hbm>> -> memref<128x128xf32, #tpu.memory_space<hbm>>
    tpu.enqueue_dma source(%arg14 : memref<128x128xf32, #tpu.memory_space<vmem>>) target(%dma_start3A_65 : memref<128x128xf32, #tpu.memory_space<hbm>>) target_semaphore(%arg19 : memref<!tpu.dma_semaphore, #tpu.memory_space<semaphore_mem>>)
    %dma_wait3A_66 = arith.constant 128 : i32
    %dma_wait3A_67 = tpu.memref_slice %arg11[%dma_wait3A_66] : memref<256xi32, #tpu.memory_space<vmem>> -> memref<128xi32, #tpu.memory_space<vmem>>
    %dma_wait3A_68 = arith.constant 0 : i32
    %dma_wait3A_69 = arith.constant 0 : i32
    %dma_wait3A_70 = tpu.memref_slice %arg6[%dma_wait3A_68, %dma_wait3A_69] : memref<100000x128xf32, #tpu.memory_space<hbm>> -> memref<100000x128xf32, #tpu.memory_space<hbm>>
    tpu.wait_indirect_dma semaphore(%arg16 : memref<!tpu.dma_semaphore, #tpu.memory_space<semaphore_mem>>) src(%dma_wait3A_70 : memref<100000x128xf32, #tpu.memory_space<hbm>>) dst(%arg15 : memref<128x128xf32, #tpu.memory_space<vmem>>)
    %add3A_71 = arith.constant 128 : i32
    %add3A_72 = arith.addi %mul3A_2, %add3A_71 : i32
    %dma_start3A_73 = arith.constant 0 : i32
    %dma_start3A_74 = tpu.memref_slice %arg8[%add3A_72, %dma_start3A_73] : memref<8192x128xf32, #tpu.memory_space<hbm>> -> memref<128x128xf32, #tpu.memory_space<hbm>>
    %dma_start3A_75 = arith.constant 0 : i32
    %dma_start3A_76 = tpu.memref_slice %arg8[%add3A_72, %dma_start3A_75] : memref<8192x128xf32, #tpu.memory_space<hbm>> -> memref<128x128xf32, #tpu.memory_space<hbm>>
    tpu.enqueue_dma source(%arg15 : memref<128x128xf32, #tpu.memory_space<vmem>>) target(%dma_start3A_76 : memref<128x128xf32, #tpu.memory_space<hbm>>) target_semaphore(%arg20 : memref<!tpu.dma_semaphore, #tpu.memory_space<semaphore_mem>>)
    %eq3A = arith.constant 0 : i32
    %eq3A_77 = arith.cmpi eq, %add3A, %eq3A : i32
    %convert_element_type3A = arith.extui %eq3A_77 : i1 to i32
    %cond3A = arith.constant 0 : i32
    %cond3A_78 = arith.cmpi ne, %convert_element_type3A, %cond3A : i32
    scf.if %cond3A_78 {
      "tpu.region"() ({
        %run_scoped3A = tpu.sem_alloc : memref<!tpu.dma_semaphore, #tpu.memory_space<semaphore_mem>>
        tpu.enqueue_dma source(%arg4 : memref<20xi32, #tpu.memory_space<hbm>>) target(%arg22 : memref<20xi32, #tpu.memory_space<vmem>>) target_semaphore(%run_scoped3A : memref<!tpu.dma_semaphore, #tpu.memory_space<semaphore_mem>>)
        tpu.wait_dma2 semaphore(%run_scoped3A : memref<!tpu.dma_semaphore, #tpu.memory_space<semaphore_mem>>) src(%arg4 : memref<20xi32, #tpu.memory_space<hbm>>) dst(%arg22 : memref<20xi32, #tpu.memory_space<vmem>>)
        tpu.yield
      }) : () -> ()
      %dma_start3A_95 = arith.constant 0 : i32
      %dma_start3A_96 = arith.constant 0 : i32
      %dma_start3A_97 = tpu.memref_slice %arg6[%dma_start3A_95, %dma_start3A_96] : memref<100000x128xf32, #tpu.memory_space<hbm>> -> memref<100000x128xf32, #tpu.memory_space<hbm>>
      tpu.enqueue_indirect_dma source(%dma_start3A_97 : memref<100000x128xf32, #tpu.memory_space<hbm>>) target(%arg23 : memref<20x128xf32, #tpu.memory_space<vmem>>) offsets(%arg22 : memref<20xi32, #tpu.memory_space<vmem>>) semaphore(%arg21 : memref<!tpu.dma_semaphore, #tpu.memory_space<semaphore_mem>>)
      %dma_wait3A_98 = arith.constant 0 : i32
      %dma_wait3A_99 = arith.constant 0 : i32
      %dma_wait3A_100 = tpu.memref_slice %arg6[%dma_wait3A_98, %dma_wait3A_99] : memref<100000x128xf32, #tpu.memory_space<hbm>> -> memref<100000x128xf32, #tpu.memory_space<hbm>>
      tpu.wait_indirect_dma semaphore(%arg21 : memref<!tpu.dma_semaphore, #tpu.memory_space<semaphore_mem>>) src(%dma_wait3A_100 : memref<100000x128xf32, #tpu.memory_space<hbm>>) dst(%arg23 : memref<20x128xf32, #tpu.memory_space<vmem>>)
      "tpu.region"() ({
        %run_scoped3A = tpu.sem_alloc : memref<!tpu.dma_semaphore, #tpu.memory_space<semaphore_mem>>
        tpu.enqueue_dma source(%arg23 : memref<20x128xf32, #tpu.memory_space<vmem>>) target(%arg9 : memref<20x128xf32, #tpu.memory_space<hbm>>) target_semaphore(%run_scoped3A : memref<!tpu.dma_semaphore, #tpu.memory_space<semaphore_mem>>)
        tpu.wait_dma2 semaphore(%run_scoped3A : memref<!tpu.dma_semaphore, #tpu.memory_space<semaphore_mem>>) src(%arg23 : memref<20x128xf32, #tpu.memory_space<vmem>>) dst(%arg9 : memref<20x128xf32, #tpu.memory_space<hbm>>)
        tpu.yield
      }) : () -> ()
    } else {
    }
    %dma_wait3A_79 = arith.constant 0 : i32
    %dma_wait3A_80 = tpu.memref_slice %arg7[%add3A_39, %dma_wait3A_79] : memref<8192x128xf32, #tpu.memory_space<hbm>> -> memref<128x128xf32, #tpu.memory_space<hbm>>
    %dma_wait3A_81 = arith.constant 0 : i32
    %dma_wait3A_82 = tpu.memref_slice %arg7[%add3A_39, %dma_wait3A_81] : memref<8192x128xf32, #tpu.memory_space<hbm>> -> memref<128x128xf32, #tpu.memory_space<hbm>>
    tpu.wait_dma2 semaphore(%arg17 : memref<!tpu.dma_semaphore, #tpu.memory_space<semaphore_mem>>) src(%arg12 : memref<128x128xf32, #tpu.memory_space<vmem>>) dst(%dma_wait3A_82 : memref<128x128xf32, #tpu.memory_space<hbm>>)
    %dma_wait3A_83 = arith.constant 0 : i32
    %dma_wait3A_84 = tpu.memref_slice %arg8[%add3A_61, %dma_wait3A_83] : memref<8192x128xf32, #tpu.memory_space<hbm>> -> memref<128x128xf32, #tpu.memory_space<hbm>>
    %dma_wait3A_85 = arith.constant 0 : i32
    %dma_wait3A_86 = tpu.memref_slice %arg8[%add3A_61, %dma_wait3A_85] : memref<8192x128xf32, #tpu.memory_space<hbm>> -> memref<128x128xf32, #tpu.memory_space<hbm>>
    tpu.wait_dma2 semaphore(%arg19 : memref<!tpu.dma_semaphore, #tpu.memory_space<semaphore_mem>>) src(%arg14 : memref<128x128xf32, #tpu.memory_space<vmem>>) dst(%dma_wait3A_86 : memref<128x128xf32, #tpu.memory_space<hbm>>)
    %dma_wait3A_87 = arith.constant 0 : i32
    %dma_wait3A_88 = tpu.memref_slice %arg7[%add3A_50, %dma_wait3A_87] : memref<8192x128xf32, #tpu.memory_space<hbm>> -> memref<128x128xf32, #tpu.memory_space<hbm>>
    %dma_wait3A_89 = arith.constant 0 : i32
    %dma_wait3A_90 = tpu.memref_slice %arg7[%add3A_50, %dma_wait3A_89] : memref<8192x128xf32, #tpu.memory_space<hbm>> -> memref<128x128xf32, #tpu.memory_space<hbm>>
    tpu.wait_dma2 semaphore(%arg18 : memref<!tpu.dma_semaphore, #tpu.memory_space<semaphore_mem>>) src(%arg13 : memref<128x128xf32, #tpu.memory_space<vmem>>) dst(%dma_wait3A_90 : memref<128x128xf32, #tpu.memory_space<hbm>>)
    %dma_wait3A_91 = arith.constant 0 : i32
    %dma_wait3A_92 = tpu.memref_slice %arg8[%add3A_72, %dma_wait3A_91] : memref<8192x128xf32, #tpu.memory_space<hbm>> -> memref<128x128xf32, #tpu.memory_space<hbm>>
    %dma_wait3A_93 = arith.constant 0 : i32
    %dma_wait3A_94 = tpu.memref_slice %arg8[%add3A_72, %dma_wait3A_93] : memref<8192x128xf32, #tpu.memory_space<hbm>> -> memref<128x128xf32, #tpu.memory_space<hbm>>
    tpu.wait_dma2 semaphore(%arg20 : memref<!tpu.dma_semaphore, #tpu.memory_space<semaphore_mem>>) src(%arg15 : memref<128x128xf32, #tpu.memory_space<vmem>>) dst(%dma_wait3A_94 : memref<128x128xf32, #tpu.memory_space<hbm>>)
    return
  }
}

module attributes {stable_mosaic.version = 14 : i64} {
  func.func @body(%arg0: i32, %arg1: memref<20x128xf32, #tpu.memory_space<vmem>>, %arg2: memref<1x1xf32, #tpu.memory_space<smem>>, %arg3: memref<2048x128xf32, #tpu.memory_space<vmem>>, %arg4: memref<2048x128xf32, #tpu.memory_space<vmem>>, %arg5: memref<1x1xf32, #tpu.memory_space<smem>>, %arg6: memref<1xf32, #tpu.memory_space<smem>>) attributes {dimension_semantics = [#tpu.dimension_semantics<arbitrary>], iteration_bounds = array<i64: 4>, scalar_prefetch = 0 : i64, scratch_operands = 1 : i64, tpu.core_type = #tpu.core_type<tc>, window_params = [{pipeline_mode = #tpu.pipeline_mode<synchronous>, transform_indices = @transform_0, window_bounds = array<i64: 20, 128>}, {transform_indices = @transform_1, window_bounds = array<i64: 1, 1>}, {transform_indices = @transform_2, window_bounds = array<i64: 2048, 128>}, {transform_indices = @transform_3, window_bounds = array<i64: 2048, 128>}, {transform_indices = @transform_4, window_bounds = array<i64: 1, 1>}]} {
    %eq3A = arith.constant 0 : i32
    %eq3A_0 = arith.cmpi eq, %arg0, %eq3A : i32
    %convert_element_type3A = arith.extui %eq3A_0 : i1 to i32
    %cond3A = arith.constant 0 : i32
    %cond3A_1 = arith.cmpi ne, %convert_element_type3A, %cond3A : i32
    scf.if %cond3A_1 {
      %get3A_49 = arith.constant 0 : index
      %get3A_50 = arith.constant 0 : index
      %get3A_51 = memref.load %arg2[%get3A_49, %get3A_50] : memref<1x1xf32, #tpu.memory_space<smem>>
      %swap3A_52 = arith.constant 0 : index
      %swap3A_53 = memref.load %arg6[%swap3A_52] : memref<1xf32, #tpu.memory_space<smem>>
      memref.store %get3A_51, %arg6[%swap3A_52] : memref<1xf32, #tpu.memory_space<smem>>
    } else {
    }
    %get3A = arith.constant 0 : index
    %get3A_2 = arith.constant 0 : index
    %get3A_3 = vector.load %arg3[%get3A, %get3A_2] : memref<2048x128xf32, #tpu.memory_space<vmem>>, vector<2048x128xf32>
    %get3A_4 = arith.constant 0 : index
    %get3A_5 = arith.constant 0 : index
    %get3A_6 = vector.load %arg4[%get3A_4, %get3A_5] : memref<2048x128xf32, #tpu.memory_space<vmem>>, vector<2048x128xf32>
    %broadcast_in_dim3A = arith.constant 1.000000e+00 : f32
    %broadcast_in_dim3A_7 = vector.broadcast %broadcast_in_dim3A : f32 to vector<128x1xf32>
    %mul3A = arith.mulf %get3A_3, %get3A_6 : vector<2048x128xf32>
    %dot_general3A = arith.constant dense<0.000000e+00> : vector<2048x1xf32>
    %dot_general3A_8 = tpu.matmul %mul3A, %broadcast_in_dim3A_7, %dot_general3A {dimension_numbers = #tpu.dot_dimension_numbers<[1], [0], [0], [1], [0, 0, 1, 1], [], []>, transpose_lhs_hint = false} : vector<2048x128xf32>, vector<128x1xf32>, vector<2048x1xf32> -> vector<2048x1xf32>
    %get3A_9 = arith.constant 0 : index
    %get3A_10 = arith.constant 0 : index
    %get3A_11 = vector.load %arg1[%get3A_9, %get3A_10] : memref<20x128xf32, #tpu.memory_space<vmem>>, vector<20x128xf32>
    %dot_general3A_12 = arith.constant dense<0.000000e+00> : vector<2048x20xf32>
    %dot_general3A_13 = tpu.matmul %get3A_3, %get3A_11, %dot_general3A_12 {dimension_numbers = #tpu.dot_dimension_numbers<[1], [1], [0], [0], [0, 0, 1, 0], [], []>, transpose_lhs_hint = false} : vector<2048x128xf32>, vector<20x128xf32>, vector<2048x20xf32> -> vector<2048x20xf32>
    %neg3A = arith.constant 0.000000e+00 : f32
    %neg3A_14 = vector.broadcast %neg3A : f32 to vector<2048x20xf32>
    %neg3A_15 = arith.subf %neg3A_14, %dot_general3A_13 : vector<2048x20xf32>
    %min3A = arith.constant 0.000000e+00 : f32
    %min3A_16 = vector.broadcast %min3A : f32 to vector<2048x1xf32>
    %min3A_17 = arith.minimumf %dot_general3A_8, %min3A_16 : vector<2048x1xf32>
    %abs3A = math.absf %dot_general3A_8 : vector<2048x1xf32>
    %neg3A_18 = arith.constant 0.000000e+00 : f32
    %neg3A_19 = vector.broadcast %neg3A_18 : f32 to vector<2048x1xf32>
    %neg3A_20 = arith.subf %neg3A_19, %abs3A : vector<2048x1xf32>
    %exp3A = math.exp %neg3A_20 : vector<2048x1xf32>
    %log1p3A = math.log1p %exp3A : vector<2048x1xf32>
    %sub3A = arith.subf %min3A_17, %log1p3A : vector<2048x1xf32>
    %reduce_sum3A = vector.shape_cast %sub3A : vector<2048x1xf32> to vector<1x2048x1xf32>
    %reduce_sum3A_21 = arith.constant dense<0.000000e+00> : vector<1xf32>
    %reduce_sum3A_22 = vector.multi_reduction <add>, %reduce_sum3A, %reduce_sum3A_21 [1, 2] : vector<1x2048x1xf32> to vector<1xf32>
    %reduce_sum3A_23 = vector.shape_cast %reduce_sum3A_22 : vector<1xf32> to vector<1x1x1xf32>
    %reduce_sum3A_24 = vector.extract %reduce_sum3A_23[0, 0, 0] : f32 from vector<1x1x1xf32>
    %min3A_25 = arith.constant 0.000000e+00 : f32
    %min3A_26 = vector.broadcast %min3A_25 : f32 to vector<2048x20xf32>
    %min3A_27 = arith.minimumf %neg3A_15, %min3A_26 : vector<2048x20xf32>
    %abs3A_28 = math.absf %neg3A_15 : vector<2048x20xf32>
    %neg3A_29 = arith.constant 0.000000e+00 : f32
    %neg3A_30 = vector.broadcast %neg3A_29 : f32 to vector<2048x20xf32>
    %neg3A_31 = arith.subf %neg3A_30, %abs3A_28 : vector<2048x20xf32>
    %exp3A_32 = math.exp %neg3A_31 : vector<2048x20xf32>
    %log1p3A_33 = math.log1p %exp3A_32 : vector<2048x20xf32>
    %sub3A_34 = arith.subf %min3A_27, %log1p3A_33 : vector<2048x20xf32>
    %reduce_sum3A_35 = vector.shape_cast %sub3A_34 : vector<2048x20xf32> to vector<1x2048x20xf32>
    %reduce_sum3A_36 = arith.constant dense<0.000000e+00> : vector<1xf32>
    %reduce_sum3A_37 = vector.multi_reduction <add>, %reduce_sum3A_35, %reduce_sum3A_36 [1, 2] : vector<1x2048x20xf32> to vector<1xf32>
    %reduce_sum3A_38 = vector.shape_cast %reduce_sum3A_37 : vector<1xf32> to vector<1x1x1xf32>
    %reduce_sum3A_39 = vector.extract %reduce_sum3A_38[0, 0, 0] : f32 from vector<1x1x1xf32>
    %add3A = arith.addf %reduce_sum3A_24, %reduce_sum3A_39 : f32
    %get3A_40 = arith.constant 0 : index
    %get3A_41 = memref.load %arg6[%get3A_40] : memref<1xf32, #tpu.memory_space<smem>>
    %add3A_42 = arith.addf %get3A_41, %add3A : f32
    %swap3A = arith.constant 0 : index
    %swap3A_43 = memref.load %arg6[%swap3A] : memref<1xf32, #tpu.memory_space<smem>>
    memref.store %add3A_42, %arg6[%swap3A] : memref<1xf32, #tpu.memory_space<smem>>
    %eq3A_44 = arith.constant 3 : i32
    %eq3A_45 = arith.cmpi eq, %arg0, %eq3A_44 : i32
    %convert_element_type3A_46 = arith.extui %eq3A_45 : i1 to i32
    %cond3A_47 = arith.constant 0 : i32
    %cond3A_48 = arith.cmpi ne, %convert_element_type3A_46, %cond3A_47 : i32
    scf.if %cond3A_48 {
      %get3A_49 = arith.constant 0 : index
      %get3A_50 = memref.load %arg6[%get3A_49] : memref<1xf32, #tpu.memory_space<smem>>
      %neg3A_51 = arith.constant 0.000000e+00 : f32
      %neg3A_52 = arith.subf %neg3A_51, %get3A_50 : f32
      %div3A = arith.constant 1.638400e+04 : f32
      %div3A_53 = arith.divf %neg3A_52, %div3A : f32
      %swap3A_54 = arith.constant 0 : index
      %swap3A_55 = arith.constant 0 : index
      %swap3A_56 = memref.load %arg5[%swap3A_54, %swap3A_55] : memref<1x1xf32, #tpu.memory_space<smem>>
      memref.store %div3A_53, %arg5[%swap3A_54, %swap3A_55] : memref<1x1xf32, #tpu.memory_space<smem>>
    } else {
    }
    return
  }
  func.func @transform_0(%arg0: i32) -> (i32, i32) {
    %c0_i32 = arith.constant 0 : i32
    %c0_i32_0 = arith.constant 0 : i32
    %c0_i32_1 = arith.constant 0 : i32
    return %c0_i32, %c0_i32_0 : i32, i32
  }
  func.func @transform_1(%arg0: i32) -> (i32, i32) {
    %c0_i32 = arith.constant 0 : i32
    %c0_i32_0 = arith.constant 0 : i32
    %c0_i32_1 = arith.constant 0 : i32
    return %c0_i32, %c0_i32_0 : i32, i32
  }
  func.func @transform_2(%arg0: i32) -> (i32, i32) {
    %c0_i32 = arith.constant 0 : i32
    %c0_i32_0 = arith.constant 0 : i32
    return %arg0, %c0_i32 : i32, i32
  }
  func.func @transform_3(%arg0: i32) -> (i32, i32) {
    %c0_i32 = arith.constant 0 : i32
    %c0_i32_0 = arith.constant 0 : i32
    return %arg0, %c0_i32 : i32, i32
  }
  func.func @transform_4(%arg0: i32) -> (i32, i32) {
    %c0_i32 = arith.constant 0 : i32
    %c0_i32_0 = arith.constant 0 : i32
    %c0_i32_1 = arith.constant 0 : i32
    return %c0_i32, %c0_i32_0 : i32, i32
  }
}

module attributes {stable_mosaic.version = 14 : i64} {
  func.func @body(%arg0: i32, %arg1: memref<20x128xf32, #tpu.memory_space<vmem>>, %arg2: memref<1x1xf32, #tpu.memory_space<smem>>, %arg3: memref<2048x128xf32, #tpu.memory_space<vmem>>, %arg4: memref<2048x128xf32, #tpu.memory_space<vmem>>, %arg5: memref<1x1xf32, #tpu.memory_space<smem>>, %arg6: memref<1xf32, #tpu.memory_space<smem>>) attributes {dimension_semantics = [#tpu.dimension_semantics<arbitrary>], iteration_bounds = array<i64: 4>, scalar_prefetch = 0 : i64, scratch_operands = 1 : i64, tpu.core_type = #tpu.core_type<tc>, window_params = [{pipeline_mode = #tpu.pipeline_mode<synchronous>, transform_indices = @transform_0, window_bounds = array<i64: 20, 128>}, {transform_indices = @transform_1, window_bounds = array<i64: 1, 1>}, {transform_indices = @transform_2, window_bounds = array<i64: 2048, 128>}, {transform_indices = @transform_3, window_bounds = array<i64: 2048, 128>}, {transform_indices = @transform_4, window_bounds = array<i64: 1, 1>}]} {
    %eq3A = arith.constant 0 : i32
    %eq3A_0 = arith.cmpi eq, %arg0, %eq3A : i32
    %convert_element_type3A = arith.extui %eq3A_0 : i1 to i32
    %cond3A = arith.constant 0 : i32
    %cond3A_1 = arith.cmpi ne, %convert_element_type3A, %cond3A : i32
    scf.if %cond3A_1 {
      %get3A_49 = arith.constant 0 : index
      %get3A_50 = arith.constant 0 : index
      %get3A_51 = memref.load %arg2[%get3A_49, %get3A_50] : memref<1x1xf32, #tpu.memory_space<smem>>
      %swap3A_52 = arith.constant 0 : index
      %swap3A_53 = memref.load %arg6[%swap3A_52] : memref<1xf32, #tpu.memory_space<smem>>
      memref.store %get3A_51, %arg6[%swap3A_52] : memref<1xf32, #tpu.memory_space<smem>>
    } else {
    }
    %get3A = arith.constant 0 : index
    %get3A_2 = arith.constant 0 : index
    %get3A_3 = vector.load %arg3[%get3A, %get3A_2] : memref<2048x128xf32, #tpu.memory_space<vmem>>, vector<2048x128xf32>
    %get3A_4 = arith.constant 0 : index
    %get3A_5 = arith.constant 0 : index
    %get3A_6 = vector.load %arg4[%get3A_4, %get3A_5] : memref<2048x128xf32, #tpu.memory_space<vmem>>, vector<2048x128xf32>
    %broadcast_in_dim3A = arith.constant 1.000000e+00 : f32
    %broadcast_in_dim3A_7 = vector.broadcast %broadcast_in_dim3A : f32 to vector<128x1xf32>
    %mul3A = arith.mulf %get3A_3, %get3A_6 : vector<2048x128xf32>
    %dot_general3A = arith.constant dense<0.000000e+00> : vector<2048x1xf32>
    %dot_general3A_8 = tpu.matmul %mul3A, %broadcast_in_dim3A_7, %dot_general3A {dimension_numbers = #tpu.dot_dimension_numbers<[1], [0], [0], [1], [0, 0, 1, 1], [], []>, transpose_lhs_hint = false} : vector<2048x128xf32>, vector<128x1xf32>, vector<2048x1xf32> -> vector<2048x1xf32>
    %get3A_9 = arith.constant 0 : index
    %get3A_10 = arith.constant 0 : index
    %get3A_11 = vector.load %arg1[%get3A_9, %get3A_10] : memref<20x128xf32, #tpu.memory_space<vmem>>, vector<20x128xf32>
    %dot_general3A_12 = arith.constant dense<0.000000e+00> : vector<2048x20xf32>
    %dot_general3A_13 = tpu.matmul %get3A_3, %get3A_11, %dot_general3A_12 {dimension_numbers = #tpu.dot_dimension_numbers<[1], [1], [0], [0], [0, 0, 1, 0], [], []>, transpose_lhs_hint = false} : vector<2048x128xf32>, vector<20x128xf32>, vector<2048x20xf32> -> vector<2048x20xf32>
    %neg3A = arith.constant 0.000000e+00 : f32
    %neg3A_14 = vector.broadcast %neg3A : f32 to vector<2048x20xf32>
    %neg3A_15 = arith.subf %neg3A_14, %dot_general3A_13 : vector<2048x20xf32>
    %min3A = arith.constant 0.000000e+00 : f32
    %min3A_16 = vector.broadcast %min3A : f32 to vector<2048x1xf32>
    %min3A_17 = arith.minimumf %dot_general3A_8, %min3A_16 : vector<2048x1xf32>
    %abs3A = math.absf %dot_general3A_8 : vector<2048x1xf32>
    %neg3A_18 = arith.constant 0.000000e+00 : f32
    %neg3A_19 = vector.broadcast %neg3A_18 : f32 to vector<2048x1xf32>
    %neg3A_20 = arith.subf %neg3A_19, %abs3A : vector<2048x1xf32>
    %exp3A = math.exp %neg3A_20 : vector<2048x1xf32>
    %log1p3A = math.log1p %exp3A : vector<2048x1xf32>
    %sub3A = arith.subf %min3A_17, %log1p3A : vector<2048x1xf32>
    %reduce_sum3A = vector.shape_cast %sub3A : vector<2048x1xf32> to vector<1x2048x1xf32>
    %reduce_sum3A_21 = arith.constant dense<0.000000e+00> : vector<1xf32>
    %reduce_sum3A_22 = vector.multi_reduction <add>, %reduce_sum3A, %reduce_sum3A_21 [1, 2] : vector<1x2048x1xf32> to vector<1xf32>
    %reduce_sum3A_23 = vector.shape_cast %reduce_sum3A_22 : vector<1xf32> to vector<1x1x1xf32>
    %reduce_sum3A_24 = vector.extract %reduce_sum3A_23[0, 0, 0] : f32 from vector<1x1x1xf32>
    %min3A_25 = arith.constant 0.000000e+00 : f32
    %min3A_26 = vector.broadcast %min3A_25 : f32 to vector<2048x20xf32>
    %min3A_27 = arith.minimumf %neg3A_15, %min3A_26 : vector<2048x20xf32>
    %abs3A_28 = math.absf %neg3A_15 : vector<2048x20xf32>
    %neg3A_29 = arith.constant 0.000000e+00 : f32
    %neg3A_30 = vector.broadcast %neg3A_29 : f32 to vector<2048x20xf32>
    %neg3A_31 = arith.subf %neg3A_30, %abs3A_28 : vector<2048x20xf32>
    %exp3A_32 = math.exp %neg3A_31 : vector<2048x20xf32>
    %log1p3A_33 = math.log1p %exp3A_32 : vector<2048x20xf32>
    %sub3A_34 = arith.subf %min3A_27, %log1p3A_33 : vector<2048x20xf32>
    %reduce_sum3A_35 = vector.shape_cast %sub3A_34 : vector<2048x20xf32> to vector<1x2048x20xf32>
    %reduce_sum3A_36 = arith.constant dense<0.000000e+00> : vector<1xf32>
    %reduce_sum3A_37 = vector.multi_reduction <add>, %reduce_sum3A_35, %reduce_sum3A_36 [1, 2] : vector<1x2048x20xf32> to vector<1xf32>
    %reduce_sum3A_38 = vector.shape_cast %reduce_sum3A_37 : vector<1xf32> to vector<1x1x1xf32>
    %reduce_sum3A_39 = vector.extract %reduce_sum3A_38[0, 0, 0] : f32 from vector<1x1x1xf32>
    %add3A = arith.addf %reduce_sum3A_24, %reduce_sum3A_39 : f32
    %get3A_40 = arith.constant 0 : index
    %get3A_41 = memref.load %arg6[%get3A_40] : memref<1xf32, #tpu.memory_space<smem>>
    %add3A_42 = arith.addf %get3A_41, %add3A : f32
    %swap3A = arith.constant 0 : index
    %swap3A_43 = memref.load %arg6[%swap3A] : memref<1xf32, #tpu.memory_space<smem>>
    memref.store %add3A_42, %arg6[%swap3A] : memref<1xf32, #tpu.memory_space<smem>>
    %eq3A_44 = arith.constant 3 : i32
    %eq3A_45 = arith.cmpi eq, %arg0, %eq3A_44 : i32
    %convert_element_type3A_46 = arith.extui %eq3A_45 : i1 to i32
    %cond3A_47 = arith.constant 0 : i32
    %cond3A_48 = arith.cmpi ne, %convert_element_type3A_46, %cond3A_47 : i32
    scf.if %cond3A_48 {
      %get3A_49 = arith.constant 0 : index
      %get3A_50 = memref.load %arg6[%get3A_49] : memref<1xf32, #tpu.memory_space<smem>>
      %swap3A_51 = arith.constant 0 : index
      %swap3A_52 = arith.constant 0 : index
      %swap3A_53 = memref.load %arg5[%swap3A_51, %swap3A_52] : memref<1x1xf32, #tpu.memory_space<smem>>
      memref.store %get3A_50, %arg5[%swap3A_51, %swap3A_52] : memref<1x1xf32, #tpu.memory_space<smem>>
    } else {
    }
    return
  }
  func.func @transform_0(%arg0: i32) -> (i32, i32) {
    %c0_i32 = arith.constant 0 : i32
    %c0_i32_0 = arith.constant 0 : i32
    %c0_i32_1 = arith.constant 0 : i32
    return %c0_i32, %c0_i32_0 : i32, i32
  }
  func.func @transform_1(%arg0: i32) -> (i32, i32) {
    %c0_i32 = arith.constant 0 : i32
    %c0_i32_0 = arith.constant 0 : i32
    %c0_i32_1 = arith.constant 0 : i32
    return %c0_i32, %c0_i32_0 : i32, i32
  }
  func.func @transform_2(%arg0: i32) -> (i32, i32) {
    %c0_i32 = arith.constant 0 : i32
    %c0_i32_0 = arith.constant 0 : i32
    return %arg0, %c0_i32 : i32, i32
  }
  func.func @transform_3(%arg0: i32) -> (i32, i32) {
    %c0_i32 = arith.constant 0 : i32
    %c0_i32_0 = arith.constant 0 : i32
    return %arg0, %c0_i32 : i32, i32
  }
  func.func @transform_4(%arg0: i32) -> (i32, i32) {
    %c0_i32 = arith.constant 0 : i32
    %c0_i32_0 = arith.constant 0 : i32
    %c0_i32_1 = arith.constant 0 : i32
    return %c0_i32, %c0_i32_0 : i32, i32
  }
}

</mosaic_0001>

<sc_bundles>
// kernel: kernel.6.cloned.1.call-start
scs
__scs_entry_jumppad:
0x0: {  	(pc) =	sbr.rel $0x88, $3  }
0x1: {  	(tag) =	ssettag $0x0;
	lr =	simm.s32 $0x1  }
0x2: {  	[smem:$0x3F9C] =	sst lr;
	_ =	strace $0xD0000000  }
0x3: {  	_ = 	snop  }
0x4: {  	_ = 	snop  }
0x5: {  	_ = 	snop  }
0x6: {  	_ = 	snop  }
0x7: {  	_ = 	snop  }
__scs_overlays_trampoline_lowered:
0x8: {  	[smem:$0x3FAB] =	sst s0  }
0x9: {  	[smem:$0x3FAC] =	sst s1  }
0xa: {  	[smem:$0x3FAD] =	sst s2  }
0xb: {  	[smem:$0x3FAE] =	sst s3  }
0xc: {  	[smem:$0x3FAF] =	sst s4  }
0xd: {  	[smem:$0x3FB0] =	sst s5  }
0xe: {  	[smem:$0x3FB1] =	sst s6  }
0xf: {  	[smem:$0x3FB2] =	sst s7  }
0x10: {  	[smem:$0x3FB3] =	sst s8  }
0x11: {  	[smem:$0x3FB4] =	sst s9;
	s0 =	simm.s32 @!p0 $0x0  }
0x12: {  	s1 =	sld [smem:$0x3F9A];
	s0 =	simm.s32 @p0 $0x1  }
0x13: {  	[smem:$0x3FB5] =	sst s0;
	s0 =	simm.s32 @!p1 $0x0  }
0x14: {  	s2 =	sld [smem:$0x3F99];
	s0 =	simm.s32 @p1 $0x1  }
0x15: {  	[smem:$0x3FB6] =	sst s0;
	s0 =	simm.s32 @!p2 $0x0  }
0x16: {  	s3 =	sld [smem:$0x3FDB];
	s0 =	simm.s32 @p2 $0x1  }
0x17: {  	s4 =	simm.s32 $0x1BF5;
	[smem:$0x3FB8] =	sst s0  }
0x18: {  	s0 =	sld [smem:$0x3F9B];
	_ =	swait.ge [sflag:s4], $0x0  }
0x19: {  	s7 =	sld [smem:$0x3F9C]  }
0x1a: {  	s8 =	sadd.s32 $0xFFFFE003, lr  }
0x1b: {  	s9 =	sadd.s32 $0xFFFFFEF7, lr;
	s5 =	simm.s32 $0xFFFFFFFF;
	p2 =	slt.u32 s8, $0xFFFFF086  }
0x1c: {  	p1 =	slt.u32 s9, $0xF7A;
	s5 =	simm.s32 @!p2 $0x0  }
0x1d: {  	s5 =	simm.s32 @p1 $0x1;
	p0 =	seq.s32 s7, s2  }
0x1e: {  	s7 =	smul.u32 @!p0 $0xF7A, s2;
	p2 =	seq.s32 @!p0 s5, $0x0  }
0x1f: {  	s9 =	smul.u32 $0xF7A, s1;
	s8 =	simm.s32 @!p0 $0x1BF5;
	p2 =	por !p2, p0  }
0x20: {  	[sflag:s8] =	ssyncset.s32 @!p0 $0xFFFFF086;
	s6 =	sadd.s32 @!p0 s3, s7;
	s7 =	simm.s32 @!p0 $0x108  }
0x21: {  	s3 =	sadd.s32 s3, s9;
	s6 =	sadd.s32 @!p0 $0x88, s6;
	s7 =	simm.s32 @p2 $0x1082  }
0x22: {  	[simem:s7], [sflag:s8] =	dma.local @!p0 [hbm:s6], $0xF7A  }
0x23: {  	s9 =	sor.u32 $0xD0000000, s2;
	s6 =	simm.s32 $0x108;
	_ =	swait.ge @!p0 [sflag:s8], $0x0  }
0x24: {  	s3 =	sadd.s32 $0x88, s3;
	s6 =	simm.s32 @!p1 $0x1082;
	[sflag:s4] =	ssyncset.s32 $0xFFFFF086  }
0x25: {  	[simem:s6], [sflag:s4] =	dma.local [hbm:s3], $0xF7A  }
0x26: {  	[smem:$0x3F9C] =	sst s1;
	(tag) =	ssettag s2;
	_ =	strace s9  }
0x27: {  	s1 =	sld [smem:$0x3FAC]  }
0x28: {  	s2 =	sld [smem:$0x3FAD]  }
0x29: {  	s4 =	sld [smem:$0x3FAF]  }
0x2a: {  	p0 =	seq.s32 s5, $0x0;
	s5 =	sld [smem:$0x3FB0]  }
0x2b: {  	s6 =	sld [smem:$0x3FB1]  }
0x2c: {  	s7 =	sld [smem:$0x3FB2]  }
0x2d: {  	s3 =	simm.s32 $0x108;
	s8 =	sld [smem:$0x3FB3]  }
0x2e: {  	s3 =	simm.s32 @!p0 $0x1082;
	s9 =	sld [smem:$0x3FB4]  }
0x2f: {  	lr =	sadd.s32 s0, s3;
	s0 =	sld [smem:$0x3FAB]  }
0x30: {  	s3 =	sld [smem:$0x3FAE]  }
0x31: {  	[smem:$0x3FB7] =	sst s10  }
0x32: {  	s10 =	sld [smem:$0x3FB5];
	_ =	sdelay $0x3  }
0x33: {  	p0 =	seq.s32 s10, $0x1;
	s10 =	sld [smem:$0x3FB7];
	_ =	sdelay $0x3  }
0x34: {  	[smem:$0x3FB7] =	sst s10  }
0x35: {  	s10 =	sld [smem:$0x3FB6];
	_ =	sdelay $0x3  }
0x36: {  	p1 =	seq.s32 s10, $0x1;
	s10 =	sld [smem:$0x3FB7];
	_ =	sdelay $0x3  }
0x37: {  	[smem:$0x3FB7] =	sst s10  }
0x38: {  	s10 =	sld [smem:$0x3FB8]  }
0x39: {  	_ = 	snop;
	(pc) =	sbr.ind lr, $3  }
0x3a: {  	_ = 	snop  }
0x3b: {  	_ = 	snop  }
0x3c: {  	p2 =	seq.s32 s10, $0x1;
	s10 =	sld [smem:$0x3FB7]  }
0x3d: {  	_ =	shalt  }
0x3e: {  	_ =	shalt  }
0x3f: {  	_ =	shalt  }
0x40: {  	_ =	shalt  }
0x41: {  	_ =	shalt  }
0x42: {  	_ =	shalt  }
0x43: {  	_ =	shalt  }
0x44: {  	_ =	shalt  }
0x45: {  	_ =	shalt  }
0x46: {  	_ =	shalt  }
0x47: {  	_ =	shalt  }
0x48: {  	_ =	shalt  }
0x49: {  	_ =	shalt  }
0x4a: {  	_ =	shalt  }
0x4b: {  	_ =	shalt  }
0x4c: {  	_ =	shalt  }
0x4d: {  	_ =	shalt  }
0x4e: {  	_ =	shalt  }
0x4f: {  	_ =	shalt  }
0x50: {  	_ =	shalt  }
0x51: {  	_ =	shalt  }
0x52: {  	_ =	shalt  }
0x53: {  	_ =	shalt  }
0x54: {  	_ =	shalt  }
0x55: {  	_ =	shalt  }
0x56: {  	_ =	shalt  }
0x57: {  	_ =	shalt  }
0x58: {  	_ =	shalt  }
0x59: {  	_ =	shalt  }
0x5a: {  	_ =	shalt  }
0x5b: {  	_ =	shalt  }
0x5c: {  	_ =	shalt  }
0x5d: {  	_ =	shalt  }
0x5e: {  	_ =	shalt  }
0x5f: {  	_ =	shalt  }
0x60: {  	_ =	shalt  }
0x61: {  	_ =	shalt  }
0x62: {  	_ =	shalt  }
0x63: {  	_ =	shalt  }
0x64: {  	_ =	shalt  }
0x65: {  	_ =	shalt  }
0x66: {  	_ =	shalt  }
0x67: {  	_ =	shalt  }
0x68: {  	_ =	shalt  }
0x69: {  	_ =	shalt  }
0x6a: {  	_ =	shalt  }
0x6b: {  	_ =	shalt  }
0x6c: {  	_ =	shalt  }
0x6d: {  	_ =	shalt  }
0x6e: {  	_ =	shalt  }
0x6f: {  	_ =	shalt  }
0x70: {  	_ =	shalt  }
0x71: {  	_ =	shalt  }
0x72: {  	_ =	shalt  }
0x73: {  	_ =	shalt  }
0x74: {  	_ =	shalt  }
0x75: {  	_ =	shalt  }
0x76: {  	_ =	shalt  }
0x77: {  	_ =	shalt  }
0x78: {  	_ =	shalt  }
0x79: {  	_ =	shalt  }
0x7a: {  	_ =	shalt  }
0x7b: {  	_ =	shalt  }
0x7c: {  	_ =	shalt  }
0x7d: {  	_ =	shalt  }
0x7e: {  	_ =	shalt  }
0x7f: {  	_ =	shalt  }
0x80: {  	_ =	shalt  }
0x81: {  	_ =	shalt  }
0x82: {  	_ =	shalt  }
0x83: {  	_ =	shalt  }
0x84: {  	_ =	shalt  }
0x85: {  	_ =	shalt  }
0x86: {  	_ =	shalt  }
0x87: {  	_ =	shalt  }
.Lfunc_end0:
.L_simem_size_0:
called_computation_lowered:
.L_overlay_start_0:
0x88: {  	s2 =	sld [smem:$0x3FD9]  }
0x89: {  	s3 =	sld [smem:$0x3FFE];
	_ =	sdelay $0x1  }
0x8a: {  	s1 =	srdreg.scid  }
0x8b: {  	s0 =	sand.u32 $0x1, s1  }
0x8c: {  	s17 =	sshll.u32 s0, $0xA;
	s2 =	sadd.s32 s3, s2  }
0x8d: {  	s2 =	sadd.s32 s2, s17  }
0x8e: {  	[smem:$0x3FC3] =	sst s2  }
0x8f: {  	_ = 	snop  }
0x90: {  	s2 =	sld [smem:$0x3FC9]  }
0x91: {  	s18 =	sld [smem:$0x3FC8]  }
0x92: {  	s4 =	sld [smem:$0x3FC7]  }
0x93: {  	s5 =	sld [smem:$0x3FC6]  }
0x94: {  	s6 =	sld [smem:$0x3FC5];
	(tm) =	ssettm $0x1  }
0x95: {  	s7 =	sld [smem:$0x3FFB];
	_ =	sdelay $0x3  }
0x96: {  	_ =	strace s7  }
0x97: {  	s7 =	sld [smem:$0x3FFC];
	_ =	sdelay $0x3  }
0x98: {  	_ =	strace s7  }
0x99: {  	s7 =	sld [smem:$0x3FFD];
	_ =	sdelay $0x3  }
0x9a: {  	_ =	strace s7  }
0x9b: {  	_ =	strace $0x8FFFFFFF  }
0x9c: {  	s19 =	sld [smem:$0x3FDB];
	_ =	sdelay $0x1  }
0x9d: {  	s8 =	simm.s32 $_scs_section_size  }
0x9e: {  	s9 =	simm.s32 $_size__tile_overlayer_lowered;
	s10 =	simm.s32 $_tile_overlayer_lowered  }
0x9f: {  	s22 =	simm.s32 $0x1BFF;
	s21 =	sshll.u32 s10, $0x1;
	s7 =	sadd.s32 s8, s19  }
0xa0: {  	s11 =	simm.s32 $0x0;
	s20 =	sshll.u32 s9, $0x1;
	s9 =	sadd.s32 s21, s7  }
0xa1: {  	[timem:s11], [sflag:s22] =	dma.local [hbm:s9], s20  }
0xa2: {  	_ =	swait.ge [sflag:s22], s20  }
0xa3: {  	s8 =	ssub.s32 $0x0, s20;
	[sflag:s22] =	ssyncset.done $0x0  }
0xa4: {  	[sflag:s22] =	ssyncadd.s32 s8;
	_ =	sdelay $0x1  }
0xa5: {  	s23 =	simm.s32 $0x1B8B  }
0xa6: {  	_ =	swait.ge [sflag:s23], $0x1  }
0xa7: {  	[sflag:s23] =	ssyncset.done $0x0  }
0xa8: {  	s25 =	simm.s32 $0x1B8E;
	s24 =	sld [smem:$0x3FFE];
	[sflag:s23] =	ssyncadd.s32 $0xFFFFFFFF  }
0xa9: {  	s26 =	simm.s32 $execute0_lowered;
	[smem:$0x3FD2] =	sst s25  }
0xaa: {  	s9 =	sshll.u32 s26, $0x1;
	_ =	strace $0x80000046;
	[dreg:$0x1] =	wrdreg $0xFFFFFFFF  }
0xab: {  	s28 =	simm.s32 $_size_execute0_lowered;
	s7 =	sadd.s32 s7, s9;
	[dreg:$0x0] =	wrdreg $0x0  }
0xac: {  	s9 =	sshll.u32 s28, $0x1;
	[dreg:$0x2] =	wrdreg s7  }
0xad: {  	[dreg:$0x3] =	wrdreg s9  }
0xae: {  	[dreg:$0x4] =	wrdreg $0xC0  }
0xaf: {  	_ =	task [dreg:s11], $0x5FFFF  }
0xb0: {  	[dreg:$0x1] =	wrdreg $0xFFFFFFFF  }
0xb1: {  	[dreg:$0x0] =	wrdreg $0x60  }
0xb2: {  	[dreg:$0x2] =	wrdreg s2  }
0xb3: {  	[dreg:$0x3] =	wrdreg s18  }
0xb4: {  	[dreg:$0x4] =	wrdreg s6  }
0xb5: {  	[dreg:$0x5] =	wrdreg s4  }
0xb6: {  	[dreg:$0x6] =	wrdreg s5  }
0xb7: {  	[dreg:$0x7] =	wrdreg s24  }
0xb8: {  	[dreg:$0x8] =	wrdreg $0x9  }
0xb9: {  	_ =	task.clear_ibuf [dreg:s11], $0x9FFFF;
	_ =	strace $0x90000046  }
0xba: {  	s29 =	simm.s32 $0x9;
	_ =	strace $0x80000048  }
0xbb: {  	_ =	swait.ge [sflag:s29], $0x1  }
0xbc: {  	[sflag:s29] =	ssyncadd.s32 $0xFFFFFFFF  }
0xbd: {  	_ =	strace $0x90000048  }
0xbe: {  	_ =	sfence  }
0xbf: {  	s30 =	sld [smem:$0x0];
	_ =	sdelay $0x2  }
0xc0: {  	s31 =	sshll.u32 s1, $0xD;
	s1 =	sshrl.u32 s1, $0x2  }
0xc1: {  	s3 =	sand.u32 $0x4000, s31;
	s1 =	sadd.s32 s1, s30  }
0xc2: {  	s0 =	sor.u32 s3, s0;
	s1 =	sshll.u32 s1, $0x11  }
0xc3: {  	s0 =	sor.u32 s1, s0  }
0xc4: {  	s0 =	sadd.s32 $0x8F2B, s0  }
0xc5: {  	[sflag:s0] =	ssyncadd.remote.s32 $0x1  }
0xc6: {  	_ =	sfence.sel $0xFFFF  }
0xc7: {  	[dreg:$0x0] =	wrdreg $0xFFFFFFFF;
	(pc) =	sbr.abs _section_cstart, $3  }
0xc8: {  	[dreg:$0x1] =	wrdreg $0xFFFFFFFF  }
0xc9: {  	_ =	task.clear_ibuf [dreg:s11], $0x2FFFF;
	_ =	strace $0x9FFFFFFF  }
0xca: {  	(tm) =	ssettm $0x7FFFFFFF  }
0xcb: {  	_ =	shalt  }
tec
execute0_lowered:
.L_overlay_start_1:
0x0: {  	(tag) =	ssettag $0x1  }
0x1: {  	s5 =	rddreg [dreg:$0x0]  }
0x2: {  	s6 =	rddreg [dreg:$0x1]  }
0x3: {  	s0 =	rddreg [dreg:$0x2]  }
0x4: {  	s2 =	rddreg [dreg:$0x3]  }
0x5: {  	s1 =	srdreg.scid;
	s25 =	stileid.u32  }
0x6: {  	s3 =	rddreg [dreg:$0x4];
	s1 =	sand.u32 $0x1, s1;
	s7 =	sshll.u32 s25, $0x1  }
0x7: {  	s4 =	simm.s32 $0x0;
	[dreg:$0x7] =	wrdreg s0;
	s20 =	sor.u32 s1, s7  }
0x8: {  	[smem:$0x7FF] =	sst s4;
	s7 =	sshll.u32 s20, $0x5  }
0x9: {  	s26 =	rddreg [dreg:$0x5];
	_ =	strace $0x80000047;
	s5 =	sadd.s32 s5, s7  }
0xa: {  	[tilespmem:s4], [sflag:$0x6] =	stream.linear.gather [hbm4b:s5+s4], $0x100, $0x38;
	[tilespmem:$0x10E80] =	vst v63  }
0xb: {  	s8 =	simm.s32 $0x6;
	s6 =	sadd.s32 s6, s7;
	s7 =	simm.s32 $0x100  }
0xc: {  	[tilespmem:s7], [sflag:$0x6] =	stream.linear.gather [hbm4b:s6+s4], $0x100, $0x38;
	[tilespmem:$0x10E80] =	vst v63  }
0xd: {  	_ =	swait.ge [sflag:s8], $0x100  }
0xe: {  	[sflag:s8] =	ssyncset.done $0x0  }
0xf: {  	s9 =	simm.s32 $0x80;
	s10 =	simm.s32 $0x200;
	[sflag:s8] =	ssyncadd.s32 $0xFFFFFF00  }
0x10: {  	[tilespmem:s10], [sflag:$0x1] =	stream.indirect.gather [hbm4b:s2+s9], $0x80, s4, s9, $0xb8;
	[tilespmem:$0x10E80] =	vst v63  }
0x11: {  	s11 =	simm.s32 $0x4200  }
0x12: {  	[tilespmem:s11], [sflag:$0x1] =	stream.indirect.gather [hbm4b:s2+s9], $0x80, s9, s9, $0xb8;
	[tilespmem:$0x10E80] =	vst v63  }
0x13: {  	_ =	swait.ge [sflag:s8], $0x100  }
0x14: {  	[sflag:s8] =	ssyncset.done $0x0  }
0x15: {  	s12 =	simm.s32 $0x8200;
	[sflag:s8] =	ssyncadd.s32 $0xFFFFFF00  }
0x16: {  	[tilespmem:s12], [sflag:$0x1] =	stream.indirect.gather [hbm4b:s3+s9], $0x80, s7, s9, $0xb8;
	[tilespmem:$0x10E80] =	vst v63  }
0x17: {  	s13 =	simm.s32 $0x180;
	s14 =	simm.s32 $0xC200;
	s15 =	simm.s32 $0x1  }
0x18: {  	[tilespmem:s14], [sflag:$0x1] =	stream.indirect.gather [hbm4b:s3+s9], $0x80, s13, s9, $0xb8;
	[tilespmem:$0x10E80] =	vst v63  }
0x19: {  	_ =	swait.ge [sflag:s15], $0x4000  }
0x1a: {  	s17 =	sadd.s32 $0x1C00, s26;
	s18 =	sshll.u32 s20, $0xC;
	[sflag:s15] =	ssyncset.done $0x0  }
0x1b: {  	s16 =	sadd.s32 s17, s18;
	[sflag:s15] =	ssyncadd.s32 $0xFFFFC000  }
0x1c: {  	[hbm4b:s16+s4] =	stream.linear.scatter [tilespmem:s10], [sflag:$0x2], $0x4000, $0x38;
	[tilespmem:$0x10E80] =	vst v63  }
0x1d: {  	_ =	swait.ge [sflag:s15], $0x4000  }
0x1e: {  	s19 =	sor.u32 $0x800, s18;
	[sflag:s15] =	ssyncset.done $0x0  }
0x1f: {  	s17 =	sadd.s32 s17, s19;
	[sflag:s15] =	ssyncadd.s32 $0xFFFFC000  }
0x20: {  	[hbm4b:s17+s4] =	stream.linear.scatter [tilespmem:s11], [sflag:$0x3], $0x4000, $0x38;
	[tilespmem:$0x10E80] =	vst v63  }
0x21: {  	_ =	swait.ge [sflag:s15], $0x4000  }
0x22: {  	s21 =	sadd.s32 $0x21C00, s26;
	[sflag:s15] =	ssyncset.done $0x0  }
0x23: {  	s18 =	sadd.s32 s21, s18;
	[sflag:s15] =	ssyncadd.s32 $0xFFFFC000  }
0x24: {  	[hbm4b:s18+s4] =	stream.linear.scatter [tilespmem:s12], [sflag:$0x4], $0x4000, $0x38;
	[tilespmem:$0x10E80] =	vst v63  }
0x25: {  	_ =	swait.ge [sflag:s15], $0x4000  }
0x26: {  	p0 =	sne.s32 s20, $0x0;
	[sflag:s15] =	ssyncset.done $0x0  }
0x27: {  	s20 =	simm.s32 @!p0 $0x0;
	s19 =	sadd.s32 s21, s19;
	[sflag:s15] =	ssyncadd.s32 $0xFFFFC000  }
0x28: {  	[hbm4b:s19+s4] =	stream.linear.scatter [tilespmem:s14], [sflag:$0x5], $0x4000, $0x38;
	[tilespmem:$0x10E80] =	vst v63  }
0x29: {  	s22 =	simm.s32 @!p0 $0x7;
	s21 =	simm.s32 @!p0 $0x10200;
	s23 =	rddreg [dreg:$0x7]  }
0x2a: {  	[tilespmem:s21], [sflag:$0x7] =	stream.linear.gather @!p0 [hbm4b:s23+s20], $0x80, $0x38;
	[tilespmem:$0x10E80] =	vst v63  }
0x2b: {  	_ =	swait.ge @!p0 [sflag:s22], $0x80  }
0x2c: {  	s24 =	simm.s32 @!p0 $0x10280;
	[sflag:s22] =	ssyncset.done @!p0 $0x0  }
0x2d: {  	s25 =	simm.s32 @!p0 $0x6;
	s23 =	simm.s32 @!p0 $0x14;
	[sflag:s22] =	ssyncadd.s32 @!p0 $0xFFFFFF80  }
0x2e: {  	[tilespmem:s24], [sflag:$0x6] =	stream.indirect.gather @!p0 [hbm4b:s3+s23], $0x80, s21, s23, $0xb8;
	[tilespmem:$0x10E80] =	vst v63  }
0x2f: {  	_ =	swait.ge @!p0 [sflag:s25], $0xA00  }
0x30: {  	[sflag:s25] =	ssyncset.done @!p0 $0x0  }
0x31: {  	s26 =	sadd.s32 $0x41C00, s26;
	[sflag:s25] =	ssyncadd.s32 @!p0 $0xFFFFF600  }
0x32: {  	[hbm4b:s26+s20] =	stream.linear.scatter @!p0 [tilespmem:s24], [sflag:$0x7], $0xA00, $0x38;
	[tilespmem:$0x10E80] =	vst v63  }
0x33: {  	_ =	swait.ge @!p0 [sflag:s22], $0xA00  }
0x34: {  	[sflag:s22] =	ssyncset.done @!p0 $0x0  }
0x35: {  	s28 =	simm.s32 $0x2;
	[sflag:s22] =	ssyncadd.s32 @!p0 $0xFFFFF600  }
0x36: {  	s1 =	ssub.s32 $0x2, s1;
	_ =	swait.ge [sflag:s28], $0x4000  }
0x37: {  	s31 =	sshrl.u32 s1, $0x1;
	[sflag:s28] =	ssyncset.done $0x0  }
0x38: {  	s29 =	simm.s32 $0x4;
	s1 =	ssub.s32 s1, s31;
	[sflag:s28] =	ssyncadd.s32 $0xFFFFC000  }
0x39: {  	s1 =	smax.u32 s1, $0x1;
	_ =	swait.ge [sflag:s29], $0x4000  }
0x3a: {  	s31 =	sadd.s32 $0xFFFFFFFF, s1;
	[sflag:s29] =	ssyncset.done $0x0  }
0x3b: {  	s30 =	simm.s32 $0x3;
	p1 =	sne.s32 s31, $0x0;
	[sflag:s29] =	ssyncadd.s32 $0xFFFFC000  }
.Ltmp0:
0x3c: {  	_ =	swait.ge [sflag:s30], $0x4000;
	(pc) =	sbr.rel @!p1 .LBB2_2-.Ltmp0, $4  }
0x3d: {  	[sflag:s30] =	ssyncset.done $0x0  }
0x3e: {  	s1 =	simm.s32 $0x5;
	[sflag:s30] =	ssyncadd.s32 $0xFFFFC000  }
0x3f: {  	_ =	swait.ge [sflag:s1], $0x4000  }
0x40: {  	[sflag:s1] =	ssyncset.done $0x0  }
.LBB2_1:
0x41: {  	[sflag:s1] =	ssyncadd.s32 $0xFFFFC000  }
0x42: {  	[tilespmem:s4], [sflag:$0x6] =	stream.linear.gather [hbm4b:s5+s4], $0x100, $0x38;
	[tilespmem:$0x10E80] =	vst v63  }
0x43: {  	_ = 	snop  }
0x44: {  	[tilespmem:s7], [sflag:$0x6] =	stream.linear.gather [hbm4b:s6+s4], $0x100, $0x38;
	[tilespmem:$0x10E80] =	vst v63  }
0x45: {  	_ =	swait.ge [sflag:s8], $0x100  }
0x46: {  	[sflag:s8] =	ssyncset.done $0x0  }
0x47: {  	[sflag:s8] =	ssyncadd.s32 $0xFFFFFF00  }
0x48: {  	[tilespmem:s10], [sflag:$0x1] =	stream.indirect.gather [hbm4b:s2+s9], $0x80, s4, s9, $0xb8;
	[tilespmem:$0x10E80] =	vst v63  }
0x49: {  	_ = 	snop  }
0x4a: {  	[tilespmem:s11], [sflag:$0x1] =	stream.indirect.gather [hbm4b:s2+s9], $0x80, s9, s9, $0xb8;
	[tilespmem:$0x10E80] =	vst v63  }
0x4b: {  	_ =	swait.ge [sflag:s8], $0x100  }
0x4c: {  	[sflag:s8] =	ssyncset.done $0x0  }
0x4d: {  	[sflag:s8] =	ssyncadd.s32 $0xFFFFFF00  }
0x4e: {  	[tilespmem:s12], [sflag:$0x1] =	stream.indirect.gather [hbm4b:s3+s9], $0x80, s7, s9, $0xb8;
	[tilespmem:$0x10E80] =	vst v63  }
0x4f: {  	_ = 	snop  }
0x50: {  	[tilespmem:s14], [sflag:$0x1] =	stream.indirect.gather [hbm4b:s3+s9], $0x80, s13, s9, $0xb8;
	[tilespmem:$0x10E80] =	vst v63  }
0x51: {  	_ =	swait.ge [sflag:s15], $0x4000  }
0x52: {  	[sflag:s15] =	ssyncset.done $0x0  }
0x53: {  	[sflag:s15] =	ssyncadd.s32 $0xFFFFC000  }
0x54: {  	[hbm4b:s16+s4] =	stream.linear.scatter [tilespmem:s10], [sflag:$0x2], $0x4000, $0x38;
	[tilespmem:$0x10E80] =	vst v63  }
0x55: {  	_ =	swait.ge [sflag:s15], $0x4000  }
0x56: {  	[sflag:s15] =	ssyncset.done $0x0  }
0x57: {  	[sflag:s15] =	ssyncadd.s32 $0xFFFFC000  }
0x58: {  	[hbm4b:s17+s4] =	stream.linear.scatter [tilespmem:s11], [sflag:$0x3], $0x4000, $0x38;
	[tilespmem:$0x10E80] =	vst v63  }
0x59: {  	_ =	swait.ge [sflag:s15], $0x4000  }
0x5a: {  	[sflag:s15] =	ssyncset.done $0x0  }
0x5b: {  	[sflag:s15] =	ssyncadd.s32 $0xFFFFC000  }
0x5c: {  	[hbm4b:s18+s4] =	stream.linear.scatter [tilespmem:s12], [sflag:$0x4], $0x4000, $0x38;
	[tilespmem:$0x10E80] =	vst v63  }
0x5d: {  	_ =	swait.ge [sflag:s15], $0x4000  }
0x5e: {  	[sflag:s15] =	ssyncset.done $0x0  }
0x5f: {  	[sflag:s15] =	ssyncadd.s32 $0xFFFFC000  }
0x60: {  	[hbm4b:s19+s4] =	stream.linear.scatter [tilespmem:s14], [sflag:$0x5], $0x4000, $0x38;
	[tilespmem:$0x10E80] =	vst v63  }
0x61: {  	s0 =	rddreg [dreg:$0x7]  }
0x62: {  	[tilespmem:s21], [sflag:$0x7] =	stream.linear.gather @!p0 [hbm4b:s0+s20], $0x80, $0x38;
	[tilespmem:$0x10E80] =	vst v63  }
0x63: {  	_ =	swait.ge @!p0 [sflag:s22], $0x80  }
0x64: {  	[sflag:s22] =	ssyncset.done @!p0 $0x0  }
0x65: {  	[sflag:s22] =	ssyncadd.s32 @!p0 $0xFFFFFF80  }
0x66: {  	[tilespmem:s24], [sflag:$0x6] =	stream.indirect.gather @!p0 [hbm4b:s3+s23], $0x80, s21, s23, $0xb8;
	[tilespmem:$0x10E80] =	vst v63  }
0x67: {  	_ =	swait.ge @!p0 [sflag:s25], $0xA00  }
0x68: {  	[sflag:s25] =	ssyncset.done @!p0 $0x0  }
0x69: {  	[sflag:s25] =	ssyncadd.s32 @!p0 $0xFFFFF600  }
0x6a: {  	[hbm4b:s26+s20] =	stream.linear.scatter @!p0 [tilespmem:s24], [sflag:$0x7], $0xA00, $0x38;
	[tilespmem:$0x10E80] =	vst v63  }
0x6b: {  	_ =	swait.ge @!p0 [sflag:s22], $0xA00  }
0x6c: {  	[sflag:s22] =	ssyncset.done @!p0 $0x0  }
0x6d: {  	[sflag:s22] =	ssyncadd.s32 @!p0 $0xFFFFF600  }
0x6e: {  	_ =	swait.ge [sflag:s28], $0x4000  }
0x6f: {  	[sflag:s28] =	ssyncset.done $0x0  }
0x70: {  	[sflag:s28] =	ssyncadd.s32 $0xFFFFC000  }
0x71: {  	_ =	swait.ge [sflag:s29], $0x4000  }
0x72: {  	s31 =	sadd.s32 $0xFFFFFFFF, s31;
	[sflag:s29] =	ssyncset.done $0x0  }
0x73: {  	p1 =	sne.s32 s31, $0x0;
	[sflag:s29] =	ssyncadd.s32 $0xFFFFC000  }
.Ltmp1:
0x74: {  	_ =	swait.ge [sflag:s30], $0x4000;
	(pc) =	sbr.rel @p1 .LBB2_1-.Ltmp1, $4  }
0x75: {  	[sflag:s30] =	ssyncset.done $0x0  }
0x76: {  	[sflag:s30] =	ssyncadd.s32 $0xFFFFC000  }
0x77: {  	_ =	swait.ge [sflag:s1], $0x4000  }
0x78: {  	[sflag:s1] =	ssyncset.done $0x0  }
.LBB2_2:
0x79: {  	[sflag:s1] =	ssyncadd.s32 $0xFFFFC000  }
0x7a: {  	_ =	sfence.sel $0x180000  }
0x7b: {  	[bflag:$0x0] =	sbarrier.arrive $0xFFFF  }
0x7c: {  	_ =	strace $0x90000047  }
0x7d: {  	s0 =	stileid.u32;
	[bflag:$0x2] =	sbarrier.arrive $0xFFFF  }
0x7e: {  	p0 =	sne.s32 s0, $0x0;
	s0 =	rddreg [dreg:$0x6]  }
0x7f: {  	s0 =	sadd.s32 @!p0 $0x100000, s0  }
0x80: {  	[sflag:s0] =	ssyncadd.tile.s32 @!p0 $0x1;
	_ =	shalt  }
.Lfunc_end2:
_tile_overlayer_lowered:
.L_overlay_start_2:
0x81: {  	(tag) =	ssettag $0x2  }
0x82: {  	s0 =	rddreg [dreg:$0x0];
	s2 =	stileid.u32  }
0x83: {  	s1 =	rddreg [dreg:$0x1];
	p0 =	sne.s32 s2, $0x0  }
0x84: {  	s3 =	rddreg [dreg:$0x2];
	[bflag:$0x3] =	sbarrier.arrive $0xFFFF;
	s2 =	simm.s32 @!p0 $0x1C07  }
0x85: {  	[timem:s3], [sflag:s2] =	dma.local @!p0 [hbm:s0], s1  }
0x86: {  	s0 =	simm.s32 @!p0 $0x7  }
0x87: {  	_ =	swait.ge @!p0 [sflag:s0], s1  }
0x88: {  	s1 =	ssub.s32 @!p0 $0x0, s1;
	[sflag:s0] =	ssyncset.done @!p0 $0x0  }
0x89: {  	[sflag:s0] =	ssyncadd.s32 @!p0 s1  }
0x8a: {  	[bflag:$0x3] =	sbarrier.arrive $0xFFFF  }
0x8b: {  	_ =	shalt  }

// kernel: kernel.9.cloned.1.call-start
scs
__scs_entry_jumppad:
0x0: {  	(pc) =	sbr.rel $0x88, $3  }
0x1: {  	(tag) =	ssettag $0x0;
	lr =	simm.s32 $0x1  }
0x2: {  	[smem:$0x3F9C] =	sst lr;
	_ =	strace $0xD0000000  }
0x3: {  	_ = 	snop  }
0x4: {  	_ = 	snop  }
0x5: {  	_ = 	snop  }
0x6: {  	_ = 	snop  }
0x7: {  	_ = 	snop  }
__scs_overlays_trampoline_lowered:
0x8: {  	[smem:$0x3FAB] =	sst s0  }
0x9: {  	[smem:$0x3FAC] =	sst s1  }
0xa: {  	[smem:$0x3FAD] =	sst s2  }
0xb: {  	[smem:$0x3FAE] =	sst s3  }
0xc: {  	[smem:$0x3FAF] =	sst s4  }
0xd: {  	[smem:$0x3FB0] =	sst s5  }
0xe: {  	[smem:$0x3FB1] =	sst s6  }
0xf: {  	[smem:$0x3FB2] =	sst s7  }
0x10: {  	[smem:$0x3FB3] =	sst s8  }
0x11: {  	[smem:$0x3FB4] =	sst s9;
	s0 =	simm.s32 @!p0 $0x0  }
0x12: {  	s1 =	sld [smem:$0x3F9A];
	s0 =	simm.s32 @p0 $0x1  }
0x13: {  	[smem:$0x3FB5] =	sst s0;
	s0 =	simm.s32 @!p1 $0x0  }
0x14: {  	s2 =	sld [smem:$0x3F99];
	s0 =	simm.s32 @p1 $0x1  }
0x15: {  	[smem:$0x3FB6] =	sst s0;
	s0 =	simm.s32 @!p2 $0x0  }
0x16: {  	s3 =	sld [smem:$0x3FDB];
	s0 =	simm.s32 @p2 $0x1  }
0x17: {  	s4 =	simm.s32 $0x1BF5;
	[smem:$0x3FB8] =	sst s0  }
0x18: {  	s0 =	sld [smem:$0x3F9B];
	_ =	swait.ge [sflag:s4], $0x0  }
0x19: {  	s7 =	sld [smem:$0x3F9C]  }
0x1a: {  	s8 =	sadd.s32 $0xFFFFE003, lr  }
0x1b: {  	s9 =	sadd.s32 $0xFFFFFEF7, lr;
	s5 =	simm.s32 $0xFFFFFFFF;
	p2 =	slt.u32 s8, $0xFFFFF086  }
0x1c: {  	p1 =	slt.u32 s9, $0xF7A;
	s5 =	simm.s32 @!p2 $0x0  }
0x1d: {  	s5 =	simm.s32 @p1 $0x1;
	p0 =	seq.s32 s7, s2  }
0x1e: {  	s7 =	smul.u32 @!p0 $0xF7A, s2;
	p2 =	seq.s32 @!p0 s5, $0x0  }
0x1f: {  	s9 =	smul.u32 $0xF7A, s1;
	s8 =	simm.s32 @!p0 $0x1BF5;
	p2 =	por !p2, p0  }
0x20: {  	[sflag:s8] =	ssyncset.s32 @!p0 $0xFFFFF086;
	s6 =	sadd.s32 @!p0 s3, s7;
	s7 =	simm.s32 @!p0 $0x108  }
0x21: {  	s3 =	sadd.s32 s3, s9;
	s6 =	sadd.s32 @!p0 $0x88, s6;
	s7 =	simm.s32 @p2 $0x1082  }
0x22: {  	[simem:s7], [sflag:s8] =	dma.local @!p0 [hbm:s6], $0xF7A  }
0x23: {  	s9 =	sor.u32 $0xD0000000, s2;
	s6 =	simm.s32 $0x108;
	_ =	swait.ge @!p0 [sflag:s8], $0x0  }
0x24: {  	s3 =	sadd.s32 $0x88, s3;
	s6 =	simm.s32 @!p1 $0x1082;
	[sflag:s4] =	ssyncset.s32 $0xFFFFF086  }
0x25: {  	[simem:s6], [sflag:s4] =	dma.local [hbm:s3], $0xF7A  }
0x26: {  	[smem:$0x3F9C] =	sst s1;
	(tag) =	ssettag s2;
	_ =	strace s9  }
0x27: {  	s1 =	sld [smem:$0x3FAC]  }
0x28: {  	s2 =	sld [smem:$0x3FAD]  }
0x29: {  	s4 =	sld [smem:$0x3FAF]  }
0x2a: {  	p0 =	seq.s32 s5, $0x0;
	s5 =	sld [smem:$0x3FB0]  }
0x2b: {  	s6 =	sld [smem:$0x3FB1]  }
0x2c: {  	s7 =	sld [smem:$0x3FB2]  }
0x2d: {  	s3 =	simm.s32 $0x108;
	s8 =	sld [smem:$0x3FB3]  }
0x2e: {  	s3 =	simm.s32 @!p0 $0x1082;
	s9 =	sld [smem:$0x3FB4]  }
0x2f: {  	lr =	sadd.s32 s0, s3;
	s0 =	sld [smem:$0x3FAB]  }
0x30: {  	s3 =	sld [smem:$0x3FAE]  }
0x31: {  	[smem:$0x3FB7] =	sst s10  }
0x32: {  	s10 =	sld [smem:$0x3FB5];
	_ =	sdelay $0x3  }
0x33: {  	p0 =	seq.s32 s10, $0x1;
	s10 =	sld [smem:$0x3FB7];
	_ =	sdelay $0x3  }
0x34: {  	[smem:$0x3FB7] =	sst s10  }
0x35: {  	s10 =	sld [smem:$0x3FB6];
	_ =	sdelay $0x3  }
0x36: {  	p1 =	seq.s32 s10, $0x1;
	s10 =	sld [smem:$0x3FB7];
	_ =	sdelay $0x3  }
0x37: {  	[smem:$0x3FB7] =	sst s10  }
0x38: {  	s10 =	sld [smem:$0x3FB8]  }
0x39: {  	_ = 	snop;
	(pc) =	sbr.ind lr, $3  }
0x3a: {  	_ = 	snop  }
0x3b: {  	_ = 	snop  }
0x3c: {  	p2 =	seq.s32 s10, $0x1;
	s10 =	sld [smem:$0x3FB7]  }
0x3d: {  	_ =	shalt  }
0x3e: {  	_ =	shalt  }
0x3f: {  	_ =	shalt  }
0x40: {  	_ =	shalt  }
0x41: {  	_ =	shalt  }
0x42: {  	_ =	shalt  }
0x43: {  	_ =	shalt  }
0x44: {  	_ =	shalt  }
0x45: {  	_ =	shalt  }
0x46: {  	_ =	shalt  }
0x47: {  	_ =	shalt  }
0x48: {  	_ =	shalt  }
0x49: {  	_ =	shalt  }
0x4a: {  	_ =	shalt  }
0x4b: {  	_ =	shalt  }
0x4c: {  	_ =	shalt  }
0x4d: {  	_ =	shalt  }
0x4e: {  	_ =	shalt  }
0x4f: {  	_ =	shalt  }
0x50: {  	_ =	shalt  }
0x51: {  	_ =	shalt  }
0x52: {  	_ =	shalt  }
0x53: {  	_ =	shalt  }
0x54: {  	_ =	shalt  }
0x55: {  	_ =	shalt  }
0x56: {  	_ =	shalt  }
0x57: {  	_ =	shalt  }
0x58: {  	_ =	shalt  }
0x59: {  	_ =	shalt  }
0x5a: {  	_ =	shalt  }
0x5b: {  	_ =	shalt  }
0x5c: {  	_ =	shalt  }
0x5d: {  	_ =	shalt  }
0x5e: {  	_ =	shalt  }
0x5f: {  	_ =	shalt  }
0x60: {  	_ =	shalt  }
0x61: {  	_ =	shalt  }
0x62: {  	_ =	shalt  }
0x63: {  	_ =	shalt  }
0x64: {  	_ =	shalt  }
0x65: {  	_ =	shalt  }
0x66: {  	_ =	shalt  }
0x67: {  	_ =	shalt  }
0x68: {  	_ =	shalt  }
0x69: {  	_ =	shalt  }
0x6a: {  	_ =	shalt  }
0x6b: {  	_ =	shalt  }
0x6c: {  	_ =	shalt  }
0x6d: {  	_ =	shalt  }
0x6e: {  	_ =	shalt  }
0x6f: {  	_ =	shalt  }
0x70: {  	_ =	shalt  }
0x71: {  	_ =	shalt  }
0x72: {  	_ =	shalt  }
0x73: {  	_ =	shalt  }
0x74: {  	_ =	shalt  }
0x75: {  	_ =	shalt  }
0x76: {  	_ =	shalt  }
0x77: {  	_ =	shalt  }
0x78: {  	_ =	shalt  }
0x79: {  	_ =	shalt  }
0x7a: {  	_ =	shalt  }
0x7b: {  	_ =	shalt  }
0x7c: {  	_ =	shalt  }
0x7d: {  	_ =	shalt  }
0x7e: {  	_ =	shalt  }
0x7f: {  	_ =	shalt  }
0x80: {  	_ =	shalt  }
0x81: {  	_ =	shalt  }
0x82: {  	_ =	shalt  }
0x83: {  	_ =	shalt  }
0x84: {  	_ =	shalt  }
0x85: {  	_ =	shalt  }
0x86: {  	_ =	shalt  }
0x87: {  	_ =	shalt  }
.Lfunc_end0:
.L_simem_size_0:
called_computation.1_lowered:
.L_overlay_start_0:
0x88: {  	s2 =	sld [smem:$0x3FD9]  }
0x89: {  	s3 =	sld [smem:$0x3FFE];
	_ =	sdelay $0x1  }
0x8a: {  	s1 =	srdreg.scid  }
0x8b: {  	s0 =	sand.u32 $0x1, s1  }
0x8c: {  	s17 =	sshll.u32 s0, $0xA;
	s2 =	sadd.s32 s3, s2  }
0x8d: {  	s2 =	sadd.s32 s2, s17  }
0x8e: {  	[smem:$0x3FC3] =	sst s2  }
0x8f: {  	_ = 	snop  }
0x90: {  	s18 =	sld [smem:$0x3FC9]  }
0x91: {  	s4 =	sld [smem:$0x3FC8]  }
0x92: {  	s5 =	sld [smem:$0x3FC7]  }
0x93: {  	s6 =	sld [smem:$0x3FC6];
	(tm) =	ssettm $0x1  }
0x94: {  	s19 =	sld [smem:$0x3FFB];
	_ =	sdelay $0x3  }
0x95: {  	_ =	strace s19  }
0x96: {  	s2 =	sld [smem:$0x3FFC];
	_ =	sdelay $0x3  }
0x97: {  	_ =	strace s2  }
0x98: {  	s2 =	sld [smem:$0x3FFD];
	_ =	sdelay $0x3  }
0x99: {  	_ =	strace s2  }
0x9a: {  	_ =	strace $0x8FFFFFFF  }
0x9b: {  	s20 =	sld [smem:$0x3FDB];
	_ =	sdelay $0x1  }
0x9c: {  	s7 =	simm.s32 $_scs_section_size  }
0x9d: {  	s8 =	simm.s32 $_size__tile_overlayer_lowered;
	s9 =	simm.s32 $_tile_overlayer_lowered  }
0x9e: {  	s10 =	simm.s32 $0x1BFF;
	s21 =	sshll.u32 s9, $0x1;
	s7 =	sadd.s32 s7, s20  }
0x9f: {  	s22 =	simm.s32 $0x0;
	s8 =	sshll.u32 s8, $0x1;
	s9 =	sadd.s32 s21, s7  }
0xa0: {  	[timem:s22], [sflag:s10] =	dma.local [hbm:s9], s8  }
0xa1: {  	_ =	swait.ge [sflag:s10], s8  }
0xa2: {  	s8 =	ssub.s32 $0x0, s8;
	[sflag:s10] =	ssyncset.done $0x0  }
0xa3: {  	[sflag:s10] =	ssyncadd.s32 s8;
	_ =	sdelay $0x1  }
0xa4: {  	s23 =	simm.s32 $0x1B8B  }
0xa5: {  	_ =	swait.ge [sflag:s23], $0x1  }
0xa6: {  	[sflag:s23] =	ssyncset.done $0x0  }
0xa7: {  	[sflag:s23] =	ssyncadd.s32 $0xFFFFFFFF  }
0xa8: {  	s8 =	sld [smem:$0x0]  }
0xa9: {  	s9 =	sand.u32 $0xFFFFFFFE, s1  }
0xaa: {  	p0 =	sne.s32 s1, s9  }
0xab: {  	s9 =	sshll.u32 @p0 s9, $0xE  }
0xac: {  	s9 =	sadd.s32 @p0 $0x11B8D, s9;
	s10 =	sshll.u32 @p0 s8, $0x11  }
0xad: {  	s9 =	sor.u32 @p0 s10, s9  }
0xae: {  	[sflag:s9] =	ssyncadd.remote.s32 @p0 $0x1;
	_ =	sdelay $0x1  }
0xaf: {  	s9 =	simm.s32 @p0 $0x1B8D  }
0xb0: {  	_ =	swait.eq @p0 [sflag:s9], $0x1  }
0xb1: {  	[sflag:s9] =	ssyncadd.s32 @p0 $0xFFFFFFFF  }
0xb2: {  	s10 =	sshll.u32 @!p0 s1, $0xE  }
0xb3: {  	s10 =	sor.u32 @!p0 $0x4000, s10;
	s9 =	simm.s32 @!p0 $0x1B8D  }
0xb4: {  	s8 =	sshll.u32 @!p0 s8, $0x11;
	s10 =	sadd.s32 @!p0 $0x11B8D, s10;
	_ =	swait.eq @!p0 [sflag:s9], $0x1  }
0xb5: {  	s8 =	sor.u32 @!p0 s8, s10;
	[sflag:s9] =	ssyncadd.s32 @!p0 $0xFFFFFFFF  }
0xb6: {  	s25 =	simm.s32 $0x1B8E;
	s24 =	sld [smem:$0x3FFE];
	[sflag:s8] =	ssyncadd.remote.s32 @!p0 $0x1  }
0xb7: {  	s26 =	simm.s32 $execute0_lowered;
	[smem:$0x3FD2] =	sst s25  }
0xb8: {  	s9 =	sshll.u32 s26, $0x1;
	_ =	strace $0x80000049;
	[dreg:$0x1] =	wrdreg $0xFFFFFFFF  }
0xb9: {  	s28 =	simm.s32 $_size_execute0_lowered;
	s7 =	sadd.s32 s7, s9;
	[dreg:$0x0] =	wrdreg $0x0  }
0xba: {  	s9 =	sshll.u32 s28, $0x1;
	[dreg:$0x2] =	wrdreg s7  }
0xbb: {  	[dreg:$0x3] =	wrdreg s9  }
0xbc: {  	[dreg:$0x4] =	wrdreg $0xC0  }
0xbd: {  	_ =	task [dreg:s22], $0x5FFFF  }
0xbe: {  	[dreg:$0x1] =	wrdreg $0xFFFFFFFF  }
0xbf: {  	[dreg:$0x0] =	wrdreg $0x60  }
0xc0: {  	[dreg:$0x2] =	wrdreg s18  }
0xc1: {  	[dreg:$0x3] =	wrdreg s4  }
0xc2: {  	[dreg:$0x4] =	wrdreg s5  }
0xc3: {  	[dreg:$0x5] =	wrdreg s6  }
0xc4: {  	[dreg:$0x6] =	wrdreg s24  }
0xc5: {  	[dreg:$0x7] =	wrdreg $0xA  }
0xc6: {  	_ =	task.clear_ibuf [dreg:s22], $0x8FFFF;
	_ =	strace $0x90000049  }
0xc7: {  	s29 =	simm.s32 $0xA;
	_ =	strace $0x8000004B  }
0xc8: {  	_ =	swait.ge [sflag:s29], $0x1  }
0xc9: {  	[sflag:s29] =	ssyncadd.s32 $0xFFFFFFFF  }
0xca: {  	_ =	strace $0x9000004B  }
0xcb: {  	_ =	sfence  }
0xcc: {  	s30 =	sld [smem:$0x0];
	_ =	sdelay $0x2  }
0xcd: {  	s31 =	sshll.u32 s1, $0xD;
	s1 =	sshrl.u32 s1, $0x2  }
0xce: {  	s4 =	sand.u32 $0x4000, s31;
	s1 =	sadd.s32 s1, s30  }
0xcf: {  	s0 =	sor.u32 s4, s0;
	s1 =	sshll.u32 s1, $0x11  }
0xd0: {  	s0 =	sor.u32 s1, s0  }
0xd1: {  	s0 =	sadd.s32 $0x8F2B, s0  }
0xd2: {  	[sflag:s0] =	ssyncadd.remote.s32 $0x1  }
0xd3: {  	_ =	sfence.sel $0xFFFF  }
0xd4: {  	[dreg:$0x0] =	wrdreg $0xFFFFFFFF;
	(pc) =	sbr.abs _section_cstart, $3  }
0xd5: {  	[dreg:$0x1] =	wrdreg $0xFFFFFFFF  }
0xd6: {  	_ =	task.clear_ibuf [dreg:s22], $0x2FFFF;
	_ =	strace $0x9FFFFFFF  }
0xd7: {  	(tm) =	ssettm $0x7FFFFFFF  }
tec
execute0_lowered:
.L_overlay_start_1:
0x0: {  	(tag) =	ssettag $0x1  }
0x1: {  	s5 =	rddreg [dreg:$0x0];
	s2 =	srdreg.scid  }
0x2: {  	s6 =	rddreg [dreg:$0x1];
	s0 =	stileid.u32;
	s22 =	sand.u32 $0x1, s2  }
0x3: {  	s1 =	rddreg [dreg:$0x2];
	s31 =	sshll.u32 s0, $0x9;
	s4 =	sshll.u32 s22, $0x8  }
0x4: {  	s3 =	rddreg [dreg:$0x3];
	s16 =	sor.u32 s4, s31  }
0x5: {  	s18 =	rddreg [dreg:$0x4];
	s4 =	simm.s32 $0x0;
	s7 =	sshrl.u32 s16, $0x3  }
0x6: {  	[smem:$0x7FF] =	sst s4;
	s7 =	sor.u32 $0x400, s7  }
0x7: {  	s2 =	rddreg [dreg:$0x5];
	_ =	strace $0x8000004A;
	s5 =	sadd.s32 s5, s7  }
0x8: {  	[tilespmem:s4], [sflag:$0x6] =	stream.linear.gather [hbm4b:s5+s4], $0x100, $0x38;
	[tilespmem:$0x10200] =	vst v63  }
0x9: {  	s8 =	simm.s32 $0x6;
	s6 =	sadd.s32 s6, s7;
	s7 =	simm.s32 $0x100  }
0xa: {  	[tilespmem:s7], [sflag:$0x6] =	stream.linear.gather [hbm4b:s6+s4], $0x100, $0x38;
	[tilespmem:$0x10200] =	vst v63  }
0xb: {  	_ =	swait.ge [sflag:s8], $0x100  }
0xc: {  	[sflag:s8] =	ssyncset.done $0x0  }
0xd: {  	s9 =	simm.s32 $0x80;
	s10 =	simm.s32 $0x200;
	[sflag:s8] =	ssyncadd.s32 $0xFFFFFF00  }
0xe: {  	[tilespmem:s10], [sflag:$0x1] =	stream.indirect.gather [hbm4b:s1+s9], $0x80, s4, s9, $0xb8;
	[tilespmem:$0x10200] =	vst v63  }
0xf: {  	s11 =	simm.s32 $0x4200  }
0x10: {  	[tilespmem:s11], [sflag:$0x1] =	stream.indirect.gather [hbm4b:s1+s9], $0x80, s9, s9, $0xb8;
	[tilespmem:$0x10200] =	vst v63  }
0x11: {  	_ =	swait.ge [sflag:s8], $0x100  }
0x12: {  	[sflag:s8] =	ssyncset.done $0x0  }
0x13: {  	s12 =	simm.s32 $0x8200;
	[sflag:s8] =	ssyncadd.s32 $0xFFFFFF00  }
0x14: {  	[tilespmem:s12], [sflag:$0x1] =	stream.indirect.gather [hbm4b:s3+s9], $0x80, s7, s9, $0xb8;
	[tilespmem:$0x10200] =	vst v63  }
0x15: {  	s13 =	simm.s32 $0x180;
	s14 =	simm.s32 $0xC200;
	s15 =	simm.s32 $0x1  }
0x16: {  	[tilespmem:s14], [sflag:$0x1] =	stream.indirect.gather [hbm4b:s3+s9], $0x80, s13, s9, $0xb8;
	[tilespmem:$0x10200] =	vst v63  }
0x17: {  	_ =	swait.ge [sflag:s15], $0x4000  }
0x18: {  	s17 =	sadd.s32 $0x41E00, s18;
	s19 =	sshll.u32 s16, $0x4;
	[sflag:s15] =	ssyncset.done $0x0  }
0x19: {  	s16 =	sadd.s32 s17, s19;
	[sflag:s15] =	ssyncadd.s32 $0xFFFFC000  }
0x1a: {  	[hbm4b:s16+s4] =	stream.linear.scatter [tilespmem:s10], [sflag:$0x2], $0x4000, $0x38;
	[tilespmem:$0x10200] =	vst v63  }
0x1b: {  	_ =	swait.ge [sflag:s15], $0x4000  }
0x1c: {  	s20 =	sor.u32 $0x800, s19;
	[sflag:s15] =	ssyncset.done $0x0  }
0x1d: {  	s17 =	sadd.s32 s17, s20;
	[sflag:s15] =	ssyncadd.s32 $0xFFFFC000  }
0x1e: {  	[hbm4b:s17+s4] =	stream.linear.scatter [tilespmem:s11], [sflag:$0x3], $0x4000, $0x38;
	[tilespmem:$0x10200] =	vst v63  }
0x1f: {  	_ =	swait.ge [sflag:s15], $0x4000  }
0x20: {  	s21 =	sadd.s32 $0x61E00, s18;
	[sflag:s15] =	ssyncset.done $0x0  }
0x21: {  	s18 =	sadd.s32 s21, s19;
	[sflag:s15] =	ssyncadd.s32 $0xFFFFC000  }
0x22: {  	[hbm4b:s18+s4] =	stream.linear.scatter [tilespmem:s12], [sflag:$0x4], $0x4000, $0x38;
	[tilespmem:$0x10200] =	vst v63  }
0x23: {  	_ =	swait.ge [sflag:s15], $0x4000  }
0x24: {  	[sflag:s15] =	ssyncset.done $0x0  }
0x25: {  	s19 =	sadd.s32 s21, s20;
	s20 =	simm.s32 $0x2;
	[sflag:s15] =	ssyncadd.s32 $0xFFFFC000  }
0x26: {  	[hbm4b:s19+s4] =	stream.linear.scatter [tilespmem:s14], [sflag:$0x5], $0x4000, $0x38;
	[tilespmem:$0x10200] =	vst v63  }
0x27: {  	_ =	swait.ge [sflag:s20], $0x4000  }
0x28: {  	s23 =	ssub.s32 $0x2, s22;
	[sflag:s20] =	ssyncset.done $0x0  }
0x29: {  	s24 =	sshrl.u32 s23, $0x1;
	s21 =	simm.s32 $0x4;
	[sflag:s20] =	ssyncadd.s32 $0xFFFFC000  }
0x2a: {  	s23 =	ssub.s32 s23, s24;
	_ =	swait.ge [sflag:s21], $0x4000  }
0x2b: {  	s24 =	smax.u32 s23, $0x1;
	[sflag:s21] =	ssyncset.done $0x0  }
0x2c: {  	s22 =	simm.s32 $0x3;
	p0 =	sne.s32 s24, $0x1;
	[sflag:s21] =	ssyncadd.s32 $0xFFFFC000  }
.Ltmp0:
0x2d: {  	_ =	swait.ge [sflag:s22], $0x4000;
	(pc) =	sbr.rel @!p0 .LBB2_2-.Ltmp0, $4  }
0x2e: {  	[sflag:s22] =	ssyncset.done $0x0  }
0x2f: {  	s23 =	simm.s32 $0x5;
	[sflag:s22] =	ssyncadd.s32 $0xFFFFC000  }
0x30: {  	_ =	swait.ge [sflag:s23], $0x4000  }
0x31: {  	s24 =	sadd.s32 $0xFFFFFFFF, s24;
	[sflag:s23] =	ssyncset.done $0x0  }
.LBB2_1:
0x32: {  	p0 =	sne.s32 s24, $0x1;
	s24 =	sadd.s32 $0xFFFFFFFF, s24;
	[sflag:s23] =	ssyncadd.s32 $0xFFFFC000  }
0x33: {  	[tilespmem:s4], [sflag:$0x6] =	stream.linear.gather [hbm4b:s5+s4], $0x100, $0x38;
	[tilespmem:$0x10200] =	vst v63  }
0x34: {  	_ = 	snop  }
0x35: {  	[tilespmem:s7], [sflag:$0x6] =	stream.linear.gather [hbm4b:s6+s4], $0x100, $0x38;
	[tilespmem:$0x10200] =	vst v63  }
0x36: {  	_ =	swait.ge [sflag:s8], $0x100  }
0x37: {  	[sflag:s8] =	ssyncset.done $0x0  }
0x38: {  	[sflag:s8] =	ssyncadd.s32 $0xFFFFFF00  }
0x39: {  	[tilespmem:s10], [sflag:$0x1] =	stream.indirect.gather [hbm4b:s1+s9], $0x80, s4, s9, $0xb8;
	[tilespmem:$0x10200] =	vst v63  }
0x3a: {  	_ = 	snop  }
0x3b: {  	[tilespmem:s11], [sflag:$0x1] =	stream.indirect.gather [hbm4b:s1+s9], $0x80, s9, s9, $0xb8;
	[tilespmem:$0x10200] =	vst v63  }
0x3c: {  	_ =	swait.ge [sflag:s8], $0x100  }
0x3d: {  	[sflag:s8] =	ssyncset.done $0x0  }
0x3e: {  	[sflag:s8] =	ssyncadd.s32 $0xFFFFFF00  }
0x3f: {  	[tilespmem:s12], [sflag:$0x1] =	stream.indirect.gather [hbm4b:s3+s9], $0x80, s7, s9, $0xb8;
	[tilespmem:$0x10200] =	vst v63  }
0x40: {  	_ = 	snop  }
0x41: {  	[tilespmem:s14], [sflag:$0x1] =	stream.indirect.gather [hbm4b:s3+s9], $0x80, s13, s9, $0xb8;
	[tilespmem:$0x10200] =	vst v63  }
0x42: {  	_ =	swait.ge [sflag:s15], $0x4000  }
0x43: {  	[sflag:s15] =	ssyncset.done $0x0  }
0x44: {  	[sflag:s15] =	ssyncadd.s32 $0xFFFFC000  }
0x45: {  	[hbm4b:s16+s4] =	stream.linear.scatter [tilespmem:s10], [sflag:$0x2], $0x4000, $0x38;
	[tilespmem:$0x10200] =	vst v63  }
0x46: {  	_ =	swait.ge [sflag:s15], $0x4000  }
0x47: {  	[sflag:s15] =	ssyncset.done $0x0  }
0x48: {  	[sflag:s15] =	ssyncadd.s32 $0xFFFFC000  }
0x49: {  	[hbm4b:s17+s4] =	stream.linear.scatter [tilespmem:s11], [sflag:$0x3], $0x4000, $0x38;
	[tilespmem:$0x10200] =	vst v63  }
0x4a: {  	_ =	swait.ge [sflag:s15], $0x4000  }
0x4b: {  	[sflag:s15] =	ssyncset.done $0x0  }
0x4c: {  	[sflag:s15] =	ssyncadd.s32 $0xFFFFC000  }
0x4d: {  	[hbm4b:s18+s4] =	stream.linear.scatter [tilespmem:s12], [sflag:$0x4], $0x4000, $0x38;
	[tilespmem:$0x10200] =	vst v63  }
0x4e: {  	_ =	swait.ge [sflag:s15], $0x4000  }
0x4f: {  	[sflag:s15] =	ssyncset.done $0x0  }
0x50: {  	[sflag:s15] =	ssyncadd.s32 $0xFFFFC000  }
0x51: {  	[hbm4b:s19+s4] =	stream.linear.scatter [tilespmem:s14], [sflag:$0x5], $0x4000, $0x38;
	[tilespmem:$0x10200] =	vst v63  }
0x52: {  	_ =	swait.ge [sflag:s20], $0x4000  }
0x53: {  	[sflag:s20] =	ssyncset.done $0x0  }
0x54: {  	[sflag:s20] =	ssyncadd.s32 $0xFFFFC000  }
0x55: {  	_ =	swait.ge [sflag:s21], $0x4000  }
0x56: {  	[sflag:s21] =	ssyncset.done $0x0  }
0x57: {  	[sflag:s21] =	ssyncadd.s32 $0xFFFFC000  }
.Ltmp1:
0x58: {  	_ =	swait.ge [sflag:s22], $0x4000;
	(pc) =	sbr.rel @p0 .LBB2_1-.Ltmp1, $4  }
0x59: {  	[sflag:s22] =	ssyncset.done $0x0  }
0x5a: {  	[sflag:s22] =	ssyncadd.s32 $0xFFFFC000  }
0x5b: {  	_ =	swait.ge [sflag:s23], $0x4000  }
0x5c: {  	[sflag:s23] =	ssyncset.done $0x0  }
.LBB2_2:
0x5d: {  	[sflag:s23] =	ssyncadd.s32 $0xFFFFC000  }
0x5e: {  	_ =	sfence.sel $0x180000  }
0x5f: {  	[bflag:$0x0] =	sbarrier.arrive $0xFFFF  }
0x60: {  	p0 =	sne.s32 s0, $0x0;
	_ =	strace $0x9000004A  }
0x61: {  	s0 =	sadd.s32 @!p0 $0x100000, s2;
	[bflag:$0x2] =	sbarrier.arrive $0xFFFF  }
0x62: {  	[sflag:s0] =	ssyncadd.tile.s32 @!p0 $0x1;
	_ =	shalt  }
.Lfunc_end2:
_tile_overlayer_lowered:
.L_overlay_start_2:
0x63: {  	(tag) =	ssettag $0x2  }
0x64: {  	s0 =	rddreg [dreg:$0x0];
	s2 =	stileid.u32  }
0x65: {  	s1 =	rddreg [dreg:$0x1];
	p0 =	sne.s32 s2, $0x0  }
0x66: {  	s3 =	rddreg [dreg:$0x2];
	[bflag:$0x3] =	sbarrier.arrive $0xFFFF;
	s2 =	simm.s32 @!p0 $0x1C07  }
0x67: {  	[timem:s3], [sflag:s2] =	dma.local @!p0 [hbm:s0], s1  }
0x68: {  	s0 =	simm.s32 @!p0 $0x7  }
0x69: {  	_ =	swait.ge @!p0 [sflag:s0], s1  }
0x6a: {  	s1 =	ssub.s32 @!p0 $0x0, s1;
	[sflag:s0] =	ssyncset.done @!p0 $0x0  }
0x6b: {  	[sflag:s0] =	ssyncadd.s32 @!p0 s1  }
0x6c: {  	[bflag:$0x3] =	sbarrier.arrive $0xFFFF  }
0x6d: {  	_ =	shalt  }

</sc_bundles>
